<compile_context>
chip_gen: v7x
topology: tpu7x:2x2x1
jax: 0.10.2.dev20260603
libtpu: 0.0.44.dev20260713+nightly
codegen_flags: <defaults>
</compile_context>

<pallas_src>
import jax
import jax.numpy as jnp
from jax.experimental import pallas as pl
from jax.experimental.pallas import tpu as pltpu

VOCAB = 1000000
D_MODEL = 128
RANK = 16
V1 = 1000
V2 = 1000
D1 = 12
D2 = 11
TB = 1024


def _tt_kernel(ids_ref, t1_ref, t2_ref, ph_ref, out_ref):
    ids = ids_ref[0]
    idf = ids.astype(jnp.float32)
    q = jnp.floor(idf * (1.0 / V2))
    idx1 = q.astype(jnp.int32)
    idx2 = ids - idx1 * V2

    iota = jax.lax.broadcasted_iota(jnp.int32, (V1, TB), 0)
    oh1 = (iota == idx1).astype(jnp.bfloat16)
    oh2 = (iota == idx2).astype(jnp.bfloat16)

    g1 = jax.lax.dot_general(t1_ref[...], oh1,
                             (((1,), (0,)), ((), ())),
                             preferred_element_type=jnp.float32)
    g2 = jax.lax.dot_general(t2_ref[...], oh2,
                             (((1,), (0,)), ((), ())),
                             preferred_element_type=jnp.float32)

    pmc = jnp.cos(ph_ref[...])

    rows = []
    for d1 in range(D1):
        a = g1[d1 * RANK:(d1 + 1) * RANK, :] * pmc
        nd2 = D2 if d1 < D1 - 1 else D_MODEL - (D1 - 1) * D2
        for d2 in range(nd2):
            p = a * g2[d2 * RANK:(d2 + 1) * RANK, :]
            rows.append(jnp.sum(p, axis=0, keepdims=True))
    out_t = jnp.concatenate(rows, axis=0)
    out_ref[...] = out_t.T


def kernel(input_ids, core1, core2, phase_shift):
    b, l = input_ids.shape
    n_tok = b * l
    grid = n_tok // TB

    t1 = jnp.transpose(core1[:, 0], (2, 1, 0)).reshape(D1 * RANK, V1)
    t2 = jnp.transpose(core2[:, :, 0], (2, 1, 0)).reshape(D2 * RANK, V2)
    t1 = t1.astype(jnp.bfloat16)
    t2 = t2.astype(jnp.bfloat16)
    ph = phase_shift.reshape(RANK, 1)

    ids3 = input_ids.reshape(grid, 1, TB).astype(jnp.int32)

    out = pl.pallas_call(
        _tt_kernel,
        grid=(grid,),
        in_specs=[
            pl.BlockSpec((1, 1, TB), lambda i: (i, 0, 0)),
            pl.BlockSpec((D1 * RANK, V1), lambda i: (0, 0)),
            pl.BlockSpec((D2 * RANK, V2), lambda i: (0, 0)),
            pl.BlockSpec((RANK, 1), lambda i: (0, 0)),
        ],
        out_specs=pl.BlockSpec((TB, D_MODEL), lambda i: (i, 0)),
        out_shape=jax.ShapeDtypeStruct((n_tok, D_MODEL), jnp.float32),
    )(ids3, t1, t2, ph)
    return out.reshape(b, l, D_MODEL)

# --- scband reference (transcript-rebuilt; emitter-appended) ---
"""Pipeline reference for scband-holographic-ttembedding-4475355922619 (READ-ONLY COPY).

The authoritative reference and input builder live on the scoring server;
editing this copy changes nothing except your own understanding.
"""

import jax, jax.numpy as jnp
import numpy as np

VOCAB = 1000000
D_MODEL = 128
RANK = 16
V1 = int(np.ceil(np.sqrt(VOCAB)))            # 1000
V2 = int(np.ceil(VOCAB / V1))                # 1000
D1 = int(np.ceil(np.sqrt(D_MODEL)))          # 12
D2 = int(np.ceil(D_MODEL / D1))              # 11
B, L = 4096, 50


def setup_inputs(seed: int = 0) -> dict:
    key = jax.random.key(seed)
    k1, k2, k3, k4 = jax.random.split(key, 4)
    input_ids = jax.random.randint(k1, (B, L), 0, VOCAB, dtype=jnp.int64 if jax.config.jax_enable_x64 else jnp.int32)
    core1 = jax.random.normal(k2, (V1, 1, RANK, D1), dtype=jnp.float32) * 0.02
    core2 = jax.random.normal(k3, (V2, RANK, 1, D2), dtype=jnp.float32) * 0.02
    phase_shift = jax.random.normal(k4, (RANK,), dtype=jnp.float32)
    return {"input_ids": input_ids, "core1": core1, "core2": core2, "phase_shift": phase_shift}


def reference(input_ids, core1, core2, phase_shift):
    # integer factorization of token ids into (idx1, idx2)
    idx1 = input_ids // V2
    idx2 = input_ids % V2
    idx1 = jnp.clip(idx1, 0, V1 - 1)
    idx2 = jnp.clip(idx2, 0, V2 - 1)
    # gather TT cores (embedding lookups)
    c1 = jnp.take(jnp.squeeze(core1, axis=1), idx1, axis=0)   # (B, L, rank, d1)
    c2 = jnp.take(jnp.squeeze(core2, axis=2), idx2, axis=0)   # (B, L, rank, d2)
    # holographic phase rotation
    phase_mod = jnp.cos(phase_shift)
    c1_modulated = c1 * phase_mod.reshape(1, 1, -1, 1)
    # TT contraction
    out_tensor = jnp.einsum('blrd,blrf->bldf', c1_modulated, c2)  # (B, L, d1, d2)
    b, l = out_tensor.shape[0], out_tensor.shape[1]
    out = out_tensor.reshape(b, l, -1)
    return out[:, :, :D_MODEL]

if __name__ == "__main__":
    import jax
    _d = setup_inputs()
    print(jax.jit(kernel)(*tuple(_d.values())))

</pallas_src>

<mosaic_0001>
module attributes {stable_mosaic.version = 14 : i64} {
  func.func @_tt_kernel(%arg0: i32, %arg1: memref<1x1x1024xi32, #tpu.memory_space<vmem>>, %arg2: memref<192x1000xbf16, #tpu.memory_space<vmem>>, %arg3: memref<176x1000xbf16, #tpu.memory_space<vmem>>, %arg4: memref<16x1xf32, #tpu.memory_space<vmem>>, %arg5: memref<1024x128xf32, #tpu.memory_space<vmem>>) attributes {dimension_semantics = [#tpu.dimension_semantics<arbitrary>], iteration_bounds = array<i64: 200>, scalar_prefetch = 0 : i64, scratch_operands = 0 : i64, tpu.core_type = #tpu.core_type<tc>, window_params = [{transform_indices = @transform_0, window_bounds = array<i64: 1, 1, 1024>}, {pipeline_mode = #tpu.pipeline_mode<synchronous>, transform_indices = @transform_1, window_bounds = array<i64: 192, 1000>}, {pipeline_mode = #tpu.pipeline_mode<synchronous>, transform_indices = @transform_2, window_bounds = array<i64: 176, 1000>}, {pipeline_mode = #tpu.pipeline_mode<synchronous>, transform_indices = @transform_3, window_bounds = array<i64: 16, 1>}, {transform_indices = @transform_4, window_bounds = array<i64: 1024, 128>}]} {
    %get3A = arith.constant 0 : index
    %get3A_0 = arith.constant 0 : index
    %get3A_1 = arith.constant 0 : index
    %get3A_2 = vector.load %arg1[%get3A, %get3A_0, %get3A_1] : memref<1x1x1024xi32, #tpu.memory_space<vmem>>, vector<1x1x1024xi32>
    %get3A_3 = vector.shape_cast %get3A_2 : vector<1x1x1024xi32> to vector<1x1024xi32>
    %convert_element_type3A = arith.sitofp %get3A_3 : vector<1x1024xi32> to vector<1x1024xf32>
    %mul3A = arith.constant 1.000000e-03 : f32
    %mul3A_4 = vector.broadcast %mul3A : f32 to vector<1x1024xf32>
    %mul3A_5 = arith.mulf %convert_element_type3A, %mul3A_4 : vector<1x1024xf32>
    %floor3A = math.floor %mul3A_5 : vector<1x1024xf32>
    %convert_element_type3A_6 = arith.fptosi %floor3A : vector<1x1024xf32> to vector<1x1024xi32>
    %mul3A_7 = arith.constant 1000 : i32
    %mul3A_8 = vector.broadcast %mul3A_7 : i32 to vector<1x1024xi32>
    %mul3A_9 = arith.muli %convert_element_type3A_6, %mul3A_8 : vector<1x1024xi32>
    %sub3A = arith.subi %get3A_3, %mul3A_9 : vector<1x1024xi32>
    %iota3A = tpu.iota {dimensions = array<i32: 0>} : vector<1000x1024xi32>
    %eq3A = vector.broadcast %convert_element_type3A_6 : vector<1x1024xi32> to vector<1000x1024xi32>
    %eq3A_10 = arith.cmpi eq, %iota3A, %eq3A : vector<1000x1024xi32>
    %convert_element_type3A_11 = arith.extui %eq3A_10 : vector<1000x1024xi1> to vector<1000x1024xi32>
    %convert_element_type3A_12 = arith.sitofp %convert_element_type3A_11 : vector<1000x1024xi32> to vector<1000x1024xf32>
    %convert_element_type3A_13 = arith.truncf %convert_element_type3A_12 : vector<1000x1024xf32> to vector<1000x1024xbf16>
    %eq3A_14 = vector.broadcast %sub3A : vector<1x1024xi32> to vector<1000x1024xi32>
    %eq3A_15 = arith.cmpi eq, %iota3A, %eq3A_14 : vector<1000x1024xi32>
    %convert_element_type3A_16 = arith.extui %eq3A_15 : vector<1000x1024xi1> to vector<1000x1024xi32>
    %convert_element_type3A_17 = arith.sitofp %convert_element_type3A_16 : vector<1000x1024xi32> to vector<1000x1024xf32>
    %convert_element_type3A_18 = arith.truncf %convert_element_type3A_17 : vector<1000x1024xf32> to vector<1000x1024xbf16>
    %get3A_19 = arith.constant 0 : index
    %get3A_20 = arith.constant 0 : index
    %get3A_21 = vector.load %arg2[%get3A_19, %get3A_20] : memref<192x1000xbf16, #tpu.memory_space<vmem>>, vector<192x1000xbf16>
    %dot_general3A = arith.constant dense<0.000000e+00> : vector<192x1024xf32>
    %dot_general3A_22 = tpu.matmul %get3A_21, %convert_element_type3A_13, %dot_general3A {dimension_numbers = #tpu.dot_dimension_numbers<[1], [0], [0], [1], [0, 0, 1, 1], [], []>, transpose_lhs_hint = false} : vector<192x1000xbf16>, vector<1000x1024xbf16>, vector<192x1024xf32> -> vector<192x1024xf32>
    %get3A_23 = arith.constant 0 : index
    %get3A_24 = arith.constant 0 : index
    %get3A_25 = vector.load %arg3[%get3A_23, %get3A_24] : memref<176x1000xbf16, #tpu.memory_space<vmem>>, vector<176x1000xbf16>
    %dot_general3A_26 = arith.constant dense<0.000000e+00> : vector<176x1024xf32>
    %dot_general3A_27 = tpu.matmul %get3A_25, %convert_element_type3A_18, %dot_general3A_26 {dimension_numbers = #tpu.dot_dimension_numbers<[1], [0], [0], [1], [0, 0, 1, 1], [], []>, transpose_lhs_hint = false} : vector<176x1000xbf16>, vector<1000x1024xbf16>, vector<176x1024xf32> -> vector<176x1024xf32>
    %get3A_28 = arith.constant 0 : index
    %get3A_29 = arith.constant 0 : index
    %get3A_30 = vector.load %arg4[%get3A_28, %get3A_29] : memref<16x1xf32, #tpu.memory_space<vmem>>, vector<16x1xf32>
    %cos3A = math.cos %get3A_30 : vector<16x1xf32>
    %slice3A = vector.extract_strided_slice %dot_general3A_22 {offsets = [0, 0], sizes = [16, 1024], strides = [1, 1]} : vector<192x1024xf32> to vector<16x1024xf32>
    %mul3A_31 = vector.broadcast %cos3A : vector<16x1xf32> to vector<16x1024xf32>
    %mul3A_32 = arith.mulf %slice3A, %mul3A_31 : vector<16x1024xf32>
    %slice3A_33 = vector.extract_strided_slice %dot_general3A_27 {offsets = [0, 0], sizes = [16, 1024], strides = [1, 1]} : vector<176x1024xf32> to vector<16x1024xf32>
    %mul3A_34 = arith.mulf %mul3A_32, %slice3A_33 : vector<16x1024xf32>
    %reduce_sum3A = arith.constant dense<0.000000e+00> : vector<1024xf32>
    %reduce_sum3A_35 = vector.multi_reduction <add>, %mul3A_34, %reduce_sum3A [0] : vector<16x1024xf32> to vector<1024xf32>
    %broadcast_in_dim3A = vector.shape_cast %reduce_sum3A_35 : vector<1024xf32> to vector<1x1024xf32>
    %slice3A_36 = vector.extract_strided_slice %dot_general3A_27 {offsets = [16, 0], sizes = [16, 1024], strides = [1, 1]} : vector<176x1024xf32> to vector<16x1024xf32>
    %mul3A_37 = arith.mulf %mul3A_32, %slice3A_36 : vector<16x1024xf32>
    %reduce_sum3A_38 = arith.constant dense<0.000000e+00> : vector<1024xf32>
    %reduce_sum3A_39 = vector.multi_reduction <add>, %mul3A_37, %reduce_sum3A_38 [0] : vector<16x1024xf32> to vector<1024xf32>
    %broadcast_in_dim3A_40 = vector.shape_cast %reduce_sum3A_39 : vector<1024xf32> to vector<1x1024xf32>
    %slice3A_41 = vector.extract_strided_slice %dot_general3A_27 {offsets = [32, 0], sizes = [16, 1024], strides = [1, 1]} : vector<176x1024xf32> to vector<16x1024xf32>
    %mul3A_42 = arith.mulf %mul3A_32, %slice3A_41 : vector<16x1024xf32>
    %reduce_sum3A_43 = arith.constant dense<0.000000e+00> : vector<1024xf32>
    %reduce_sum3A_44 = vector.multi_reduction <add>, %mul3A_42, %reduce_sum3A_43 [0] : vector<16x1024xf32> to vector<1024xf32>
    %broadcast_in_dim3A_45 = vector.shape_cast %reduce_sum3A_44 : vector<1024xf32> to vector<1x1024xf32>
    %slice3A_46 = vector.extract_strided_slice %dot_general3A_27 {offsets = [48, 0], sizes = [16, 1024], strides = [1, 1]} : vector<176x1024xf32> to vector<16x1024xf32>
    %mul3A_47 = arith.mulf %mul3A_32, %slice3A_46 : vector<16x1024xf32>
    %reduce_sum3A_48 = arith.constant dense<0.000000e+00> : vector<1024xf32>
    %reduce_sum3A_49 = vector.multi_reduction <add>, %mul3A_47, %reduce_sum3A_48 [0] : vector<16x1024xf32> to vector<1024xf32>
    %broadcast_in_dim3A_50 = vector.shape_cast %reduce_sum3A_49 : vector<1024xf32> to vector<1x1024xf32>
    %slice3A_51 = vector.extract_strided_slice %dot_general3A_27 {offsets = [64, 0], sizes = [16, 1024], strides = [1, 1]} : vector<176x1024xf32> to vector<16x1024xf32>
    %mul3A_52 = arith.mulf %mul3A_32, %slice3A_51 : vector<16x1024xf32>
    %reduce_sum3A_53 = arith.constant dense<0.000000e+00> : vector<1024xf32>
    %reduce_sum3A_54 = vector.multi_reduction <add>, %mul3A_52, %reduce_sum3A_53 [0] : vector<16x1024xf32> to vector<1024xf32>
    %broadcast_in_dim3A_55 = vector.shape_cast %reduce_sum3A_54 : vector<1024xf32> to vector<1x1024xf32>
    %slice3A_56 = vector.extract_strided_slice %dot_general3A_27 {offsets = [80, 0], sizes = [16, 1024], strides = [1, 1]} : vector<176x1024xf32> to vector<16x1024xf32>
    %mul3A_57 = arith.mulf %mul3A_32, %slice3A_56 : vector<16x1024xf32>
    %reduce_sum3A_58 = arith.constant dense<0.000000e+00> : vector<1024xf32>
    %reduce_sum3A_59 = vector.multi_reduction <add>, %mul3A_57, %reduce_sum3A_58 [0] : vector<16x1024xf32> to vector<1024xf32>
    %broadcast_in_dim3A_60 = vector.shape_cast %reduce_sum3A_59 : vector<1024xf32> to vector<1x1024xf32>
    %slice3A_61 = vector.extract_strided_slice %dot_general3A_27 {offsets = [96, 0], sizes = [16, 1024], strides = [1, 1]} : vector<176x1024xf32> to vector<16x1024xf32>
    %mul3A_62 = arith.mulf %mul3A_32, %slice3A_61 : vector<16x1024xf32>
    %reduce_sum3A_63 = arith.constant dense<0.000000e+00> : vector<1024xf32>
    %reduce_sum3A_64 = vector.multi_reduction <add>, %mul3A_62, %reduce_sum3A_63 [0] : vector<16x1024xf32> to vector<1024xf32>
    %broadcast_in_dim3A_65 = vector.shape_cast %reduce_sum3A_64 : vector<1024xf32> to vector<1x1024xf32>
    %slice3A_66 = vector.extract_strided_slice %dot_general3A_27 {offsets = [112, 0], sizes = [16, 1024], strides = [1, 1]} : vector<176x1024xf32> to vector<16x1024xf32>
    %mul3A_67 = arith.mulf %mul3A_32, %slice3A_66 : vector<16x1024xf32>
    %reduce_sum3A_68 = arith.constant dense<0.000000e+00> : vector<1024xf32>
    %reduce_sum3A_69 = vector.multi_reduction <add>, %mul3A_67, %reduce_sum3A_68 [0] : vector<16x1024xf32> to vector<1024xf32>
    %broadcast_in_dim3A_70 = vector.shape_cast %reduce_sum3A_69 : vector<1024xf32> to vector<1x1024xf32>
    %slice3A_71 = vector.extract_strided_slice %dot_general3A_27 {offsets = [128, 0], sizes = [16, 1024], strides = [1, 1]} : vector<176x1024xf32> to vector<16x1024xf32>
    %mul3A_72 = arith.mulf %mul3A_32, %slice3A_71 : vector<16x1024xf32>
    %reduce_sum3A_73 = arith.constant dense<0.000000e+00> : vector<1024xf32>
    %reduce_sum3A_74 = vector.multi_reduction <add>, %mul3A_72, %reduce_sum3A_73 [0] : vector<16x1024xf32> to vector<1024xf32>
    %broadcast_in_dim3A_75 = vector.shape_cast %reduce_sum3A_74 : vector<1024xf32> to vector<1x1024xf32>
    %slice3A_76 = vector.extract_strided_slice %dot_general3A_27 {offsets = [144, 0], sizes = [16, 1024], strides = [1, 1]} : vector<176x1024xf32> to vector<16x1024xf32>
    %mul3A_77 = arith.mulf %mul3A_32, %slice3A_76 : vector<16x1024xf32>
    %reduce_sum3A_78 = arith.constant dense<0.000000e+00> : vector<1024xf32>
    %reduce_sum3A_79 = vector.multi_reduction <add>, %mul3A_77, %reduce_sum3A_78 [0] : vector<16x1024xf32> to vector<1024xf32>
    %broadcast_in_dim3A_80 = vector.shape_cast %reduce_sum3A_79 : vector<1024xf32> to vector<1x1024xf32>
    %slice3A_81 = vector.extract_strided_slice %dot_general3A_27 {offsets = [160, 0], sizes = [16, 1024], strides = [1, 1]} : vector<176x1024xf32> to vector<16x1024xf32>
    %mul3A_82 = arith.mulf %mul3A_32, %slice3A_81 : vector<16x1024xf32>
    %reduce_sum3A_83 = arith.constant dense<0.000000e+00> : vector<1024xf32>
    %reduce_sum3A_84 = vector.multi_reduction <add>, %mul3A_82, %reduce_sum3A_83 [0] : vector<16x1024xf32> to vector<1024xf32>
    %broadcast_in_dim3A_85 = vector.shape_cast %reduce_sum3A_84 : vector<1024xf32> to vector<1x1024xf32>
    %slice3A_86 = vector.extract_strided_slice %dot_general3A_22 {offsets = [16, 0], sizes = [16, 1024], strides = [1, 1]} : vector<192x1024xf32> to vector<16x1024xf32>
    %mul3A_87 = vector.broadcast %cos3A : vector<16x1xf32> to vector<16x1024xf32>
    %mul3A_88 = arith.mulf %slice3A_86, %mul3A_87 : vector<16x1024xf32>
    %slice3A_89 = vector.extract_strided_slice %dot_general3A_27 {offsets = [0, 0], sizes = [16, 1024], strides = [1, 1]} : vector<176x1024xf32> to vector<16x1024xf32>
    %mul3A_90 = arith.mulf %mul3A_88, %slice3A_89 : vector<16x1024xf32>
    %reduce_sum3A_91 = arith.constant dense<0.000000e+00> : vector<1024xf32>
    %reduce_sum3A_92 = vector.multi_reduction <add>, %mul3A_90, %reduce_sum3A_91 [0] : vector<16x1024xf32> to vector<1024xf32>
    %broadcast_in_dim3A_93 = vector.shape_cast %reduce_sum3A_92 : vector<1024xf32> to vector<1x1024xf32>
    %slice3A_94 = vector.extract_strided_slice %dot_general3A_27 {offsets = [16, 0], sizes = [16, 1024], strides = [1, 1]} : vector<176x1024xf32> to vector<16x1024xf32>
    %mul3A_95 = arith.mulf %mul3A_88, %slice3A_94 : vector<16x1024xf32>
    %reduce_sum3A_96 = arith.constant dense<0.000000e+00> : vector<1024xf32>
    %reduce_sum3A_97 = vector.multi_reduction <add>, %mul3A_95, %reduce_sum3A_96 [0] : vector<16x1024xf32> to vector<1024xf32>
    %broadcast_in_dim3A_98 = vector.shape_cast %reduce_sum3A_97 : vector<1024xf32> to vector<1x1024xf32>
    %slice3A_99 = vector.extract_strided_slice %dot_general3A_27 {offsets = [32, 0], sizes = [16, 1024], strides = [1, 1]} : vector<176x1024xf32> to vector<16x1024xf32>
    %mul3A_100 = arith.mulf %mul3A_88, %slice3A_99 : vector<16x1024xf32>
    %reduce_sum3A_101 = arith.constant dense<0.000000e+00> : vector<1024xf32>
    %reduce_sum3A_102 = vector.multi_reduction <add>, %mul3A_100, %reduce_sum3A_101 [0] : vector<16x1024xf32> to vector<1024xf32>
    %broadcast_in_dim3A_103 = vector.shape_cast %reduce_sum3A_102 : vector<1024xf32> to vector<1x1024xf32>
    %slice3A_104 = vector.extract_strided_slice %dot_general3A_27 {offsets = [48, 0], sizes = [16, 1024], strides = [1, 1]} : vector<176x1024xf32> to vector<16x1024xf32>
    %mul3A_105 = arith.mulf %mul3A_88, %slice3A_104 : vector<16x1024xf32>
    %reduce_sum3A_106 = arith.constant dense<0.000000e+00> : vector<1024xf32>
    %reduce_sum3A_107 = vector.multi_reduction <add>, %mul3A_105, %reduce_sum3A_106 [0] : vector<16x1024xf32> to vector<1024xf32>
    %broadcast_in_dim3A_108 = vector.shape_cast %reduce_sum3A_107 : vector<1024xf32> to vector<1x1024xf32>
    %slice3A_109 = vector.extract_strided_slice %dot_general3A_27 {offsets = [64, 0], sizes = [16, 1024], strides = [1, 1]} : vector<176x1024xf32> to vector<16x1024xf32>
    %mul3A_110 = arith.mulf %mul3A_88, %slice3A_109 : vector<16x1024xf32>
    %reduce_sum3A_111 = arith.constant dense<0.000000e+00> : vector<1024xf32>
    %reduce_sum3A_112 = vector.multi_reduction <add>, %mul3A_110, %reduce_sum3A_111 [0] : vector<16x1024xf32> to vector<1024xf32>
    %broadcast_in_dim3A_113 = vector.shape_cast %reduce_sum3A_112 : vector<1024xf32> to vector<1x1024xf32>
    %slice3A_114 = vector.extract_strided_slice %dot_general3A_27 {offsets = [80, 0], sizes = [16, 1024], strides = [1, 1]} : vector<176x1024xf32> to vector<16x1024xf32>
    %mul3A_115 = arith.mulf %mul3A_88, %slice3A_114 : vector<16x1024xf32>
    %reduce_sum3A_116 = arith.constant dense<0.000000e+00> : vector<1024xf32>
    %reduce_sum3A_117 = vector.multi_reduction <add>, %mul3A_115, %reduce_sum3A_116 [0] : vector<16x1024xf32> to vector<1024xf32>
    %broadcast_in_dim3A_118 = vector.shape_cast %reduce_sum3A_117 : vector<1024xf32> to vector<1x1024xf32>
    %slice3A_119 = vector.extract_strided_slice %dot_general3A_27 {offsets = [96, 0], sizes = [16, 1024], strides = [1, 1]} : vector<176x1024xf32> to vector<16x1024xf32>
    %mul3A_120 = arith.mulf %mul3A_88, %slice3A_119 : vector<16x1024xf32>
    %reduce_sum3A_121 = arith.constant dense<0.000000e+00> : vector<1024xf32>
    %reduce_sum3A_122 = vector.multi_reduction <add>, %mul3A_120, %reduce_sum3A_121 [0] : vector<16x1024xf32> to vector<1024xf32>
    %broadcast_in_dim3A_123 = vector.shape_cast %reduce_sum3A_122 : vector<1024xf32> to vector<1x1024xf32>
    %slice3A_124 = vector.extract_strided_slice %dot_general3A_27 {offsets = [112, 0], sizes = [16, 1024], strides = [1, 1]} : vector<176x1024xf32> to vector<16x1024xf32>
    %mul3A_125 = arith.mulf %mul3A_88, %slice3A_124 : vector<16x1024xf32>
    %reduce_sum3A_126 = arith.constant dense<0.000000e+00> : vector<1024xf32>
    %reduce_sum3A_127 = vector.multi_reduction <add>, %mul3A_125, %reduce_sum3A_126 [0] : vector<16x1024xf32> to vector<1024xf32>
    %broadcast_in_dim3A_128 = vector.shape_cast %reduce_sum3A_127 : vector<1024xf32> to vector<1x1024xf32>
    %slice3A_129 = vector.extract_strided_slice %dot_general3A_27 {offsets = [128, 0], sizes = [16, 1024], strides = [1, 1]} : vector<176x1024xf32> to vector<16x1024xf32>
    %mul3A_130 = arith.mulf %mul3A_88, %slice3A_129 : vector<16x1024xf32>
    %reduce_sum3A_131 = arith.constant dense<0.000000e+00> : vector<1024xf32>
    %reduce_sum3A_132 = vector.multi_reduction <add>, %mul3A_130, %reduce_sum3A_131 [0] : vector<16x1024xf32> to vector<1024xf32>
    %broadcast_in_dim3A_133 = vector.shape_cast %reduce_sum3A_132 : vector<1024xf32> to vector<1x1024xf32>
    %slice3A_134 = vector.extract_strided_slice %dot_general3A_27 {offsets = [144, 0], sizes = [16, 1024], strides = [1, 1]} : vector<176x1024xf32> to vector<16x1024xf32>
    %mul3A_135 = arith.mulf %mul3A_88, %slice3A_134 : vector<16x1024xf32>
    %reduce_sum3A_136 = arith.constant dense<0.000000e+00> : vector<1024xf32>
    %reduce_sum3A_137 = vector.multi_reduction <add>, %mul3A_135, %reduce_sum3A_136 [0] : vector<16x1024xf32> to vector<1024xf32>
    %broadcast_in_dim3A_138 = vector.shape_cast %reduce_sum3A_137 : vector<1024xf32> to vector<1x1024xf32>
    %slice3A_139 = vector.extract_strided_slice %dot_general3A_27 {offsets = [160, 0], sizes = [16, 1024], strides = [1, 1]} : vector<176x1024xf32> to vector<16x1024xf32>
    %mul3A_140 = arith.mulf %mul3A_88, %slice3A_139 : vector<16x1024xf32>
    %reduce_sum3A_141 = arith.constant dense<0.000000e+00> : vector<1024xf32>
    %reduce_sum3A_142 = vector.multi_reduction <add>, %mul3A_140, %reduce_sum3A_141 [0] : vector<16x1024xf32> to vector<1024xf32>
    %broadcast_in_dim3A_143 = vector.shape_cast %reduce_sum3A_142 : vector<1024xf32> to vector<1x1024xf32>
    %slice3A_144 = vector.extract_strided_slice %dot_general3A_22 {offsets = [32, 0], sizes = [16, 1024], strides = [1, 1]} : vector<192x1024xf32> to vector<16x1024xf32>
    %mul3A_145 = vector.broadcast %cos3A : vector<16x1xf32> to vector<16x1024xf32>
    %mul3A_146 = arith.mulf %slice3A_144, %mul3A_145 : vector<16x1024xf32>
    %slice3A_147 = vector.extract_strided_slice %dot_general3A_27 {offsets = [0, 0], sizes = [16, 1024], strides = [1, 1]} : vector<176x1024xf32> to vector<16x1024xf32>
    %mul3A_148 = arith.mulf %mul3A_146, %slice3A_147 : vector<16x1024xf32>
    %reduce_sum3A_149 = arith.constant dense<0.000000e+00> : vector<1024xf32>
    %reduce_sum3A_150 = vector.multi_reduction <add>, %mul3A_148, %reduce_sum3A_149 [0] : vector<16x1024xf32> to vector<1024xf32>
    %broadcast_in_dim3A_151 = vector.shape_cast %reduce_sum3A_150 : vector<1024xf32> to vector<1x1024xf32>
    %slice3A_152 = vector.extract_strided_slice %dot_general3A_27 {offsets = [16, 0], sizes = [16, 1024], strides = [1, 1]} : vector<176x1024xf32> to vector<16x1024xf32>
    %mul3A_153 = arith.mulf %mul3A_146, %slice3A_152 : vector<16x1024xf32>
    %reduce_sum3A_154 = arith.constant dense<0.000000e+00> : vector<1024xf32>
    %reduce_sum3A_155 = vector.multi_reduction <add>, %mul3A_153, %reduce_sum3A_154 [0] : vector<16x1024xf32> to vector<1024xf32>
    %broadcast_in_dim3A_156 = vector.shape_cast %reduce_sum3A_155 : vector<1024xf32> to vector<1x1024xf32>
    %slice3A_157 = vector.extract_strided_slice %dot_general3A_27 {offsets = [32, 0], sizes = [16, 1024], strides = [1, 1]} : vector<176x1024xf32> to vector<16x1024xf32>
    %mul3A_158 = arith.mulf %mul3A_146, %slice3A_157 : vector<16x1024xf32>
    %reduce_sum3A_159 = arith.constant dense<0.000000e+00> : vector<1024xf32>
    %reduce_sum3A_160 = vector.multi_reduction <add>, %mul3A_158, %reduce_sum3A_159 [0] : vector<16x1024xf32> to vector<1024xf32>
    %broadcast_in_dim3A_161 = vector.shape_cast %reduce_sum3A_160 : vector<1024xf32> to vector<1x1024xf32>
    %slice3A_162 = vector.extract_strided_slice %dot_general3A_27 {offsets = [48, 0], sizes = [16, 1024], strides = [1, 1]} : vector<176x1024xf32> to vector<16x1024xf32>
    %mul3A_163 = arith.mulf %mul3A_146, %slice3A_162 : vector<16x1024xf32>
    %reduce_sum3A_164 = arith.constant dense<0.000000e+00> : vector<1024xf32>
    %reduce_sum3A_165 = vector.multi_reduction <add>, %mul3A_163, %reduce_sum3A_164 [0] : vector<16x1024xf32> to vector<1024xf32>
    %broadcast_in_dim3A_166 = vector.shape_cast %reduce_sum3A_165 : vector<1024xf32> to vector<1x1024xf32>
    %slice3A_167 = vector.extract_strided_slice %dot_general3A_27 {offsets = [64, 0], sizes = [16, 1024], strides = [1, 1]} : vector<176x1024xf32> to vector<16x1024xf32>
    %mul3A_168 = arith.mulf %mul3A_146, %slice3A_167 : vector<16x1024xf32>
    %reduce_sum3A_169 = arith.constant dense<0.000000e+00> : vector<1024xf32>
    %reduce_sum3A_170 = vector.multi_reduction <add>, %mul3A_168, %reduce_sum3A_169 [0] : vector<16x1024xf32> to vector<1024xf32>
    %broadcast_in_dim3A_171 = vector.shape_cast %reduce_sum3A_170 : vector<1024xf32> to vector<1x1024xf32>
    %slice3A_172 = vector.extract_strided_slice %dot_general3A_27 {offsets = [80, 0], sizes = [16, 1024], strides = [1, 1]} : vector<176x1024xf32> to vector<16x1024xf32>
    %mul3A_173 = arith.mulf %mul3A_146, %slice3A_172 : vector<16x1024xf32>
    %reduce_sum3A_174 = arith.constant dense<0.000000e+00> : vector<1024xf32>
    %reduce_sum3A_175 = vector.multi_reduction <add>, %mul3A_173, %reduce_sum3A_174 [0] : vector<16x1024xf32> to vector<1024xf32>
    %broadcast_in_dim3A_176 = vector.shape_cast %reduce_sum3A_175 : vector<1024xf32> to vector<1x1024xf32>
    %slice3A_177 = vector.extract_strided_slice %dot_general3A_27 {offsets = [96, 0], sizes = [16, 1024], strides = [1, 1]} : vector<176x1024xf32> to vector<16x1024xf32>
    %mul3A_178 = arith.mulf %mul3A_146, %slice3A_177 : vector<16x1024xf32>
    %reduce_sum3A_179 = arith.constant dense<0.000000e+00> : vector<1024xf32>
    %reduce_sum3A_180 = vector.multi_reduction <add>, %mul3A_178, %reduce_sum3A_179 [0] : vector<16x1024xf32> to vector<1024xf32>
    %broadcast_in_dim3A_181 = vector.shape_cast %reduce_sum3A_180 : vector<1024xf32> to vector<1x1024xf32>
    %slice3A_182 = vector.extract_strided_slice %dot_general3A_27 {offsets = [112, 0], sizes = [16, 1024], strides = [1, 1]} : vector<176x1024xf32> to vector<16x1024xf32>
    %mul3A_183 = arith.mulf %mul3A_146, %slice3A_182 : vector<16x1024xf32>
    %reduce_sum3A_184 = arith.constant dense<0.000000e+00> : vector<1024xf32>
    %reduce_sum3A_185 = vector.multi_reduction <add>, %mul3A_183, %reduce_sum3A_184 [0] : vector<16x1024xf32> to vector<1024xf32>
    %broadcast_in_dim3A_186 = vector.shape_cast %reduce_sum3A_185 : vector<1024xf32> to vector<1x1024xf32>
    %slice3A_187 = vector.extract_strided_slice %dot_general3A_27 {offsets = [128, 0], sizes = [16, 1024], strides = [1, 1]} : vector<176x1024xf32> to vector<16x1024xf32>
    %mul3A_188 = arith.mulf %mul3A_146, %slice3A_187 : vector<16x1024xf32>
    %reduce_sum3A_189 = arith.constant dense<0.000000e+00> : vector<1024xf32>
    %reduce_sum3A_190 = vector.multi_reduction <add>, %mul3A_188, %reduce_sum3A_189 [0] : vector<16x1024xf32> to vector<1024xf32>
    %broadcast_in_dim3A_191 = vector.shape_cast %reduce_sum3A_190 : vector<1024xf32> to vector<1x1024xf32>
    %slice3A_192 = vector.extract_strided_slice %dot_general3A_27 {offsets = [144, 0], sizes = [16, 1024], strides = [1, 1]} : vector<176x1024xf32> to vector<16x1024xf32>
    %mul3A_193 = arith.mulf %mul3A_146, %slice3A_192 : vector<16x1024xf32>
    %reduce_sum3A_194 = arith.constant dense<0.000000e+00> : vector<1024xf32>
    %reduce_sum3A_195 = vector.multi_reduction <add>, %mul3A_193, %reduce_sum3A_194 [0] : vector<16x1024xf32> to vector<1024xf32>
    %broadcast_in_dim3A_196 = vector.shape_cast %reduce_sum3A_195 : vector<1024xf32> to vector<1x1024xf32>
    %slice3A_197 = vector.extract_strided_slice %dot_general3A_27 {offsets = [160, 0], sizes = [16, 1024], strides = [1, 1]} : vector<176x1024xf32> to vector<16x1024xf32>
    %mul3A_198 = arith.mulf %mul3A_146, %slice3A_197 : vector<16x1024xf32>
    %reduce_sum3A_199 = arith.constant dense<0.000000e+00> : vector<1024xf32>
    %reduce_sum3A_200 = vector.multi_reduction <add>, %mul3A_198, %reduce_sum3A_199 [0] : vector<16x1024xf32> to vector<1024xf32>
    %broadcast_in_dim3A_201 = vector.shape_cast %reduce_sum3A_200 : vector<1024xf32> to vector<1x1024xf32>
    %slice3A_202 = vector.extract_strided_slice %dot_general3A_22 {offsets = [48, 0], sizes = [16, 1024], strides = [1, 1]} : vector<192x1024xf32> to vector<16x1024xf32>
    %mul3A_203 = vector.broadcast %cos3A : vector<16x1xf32> to vector<16x1024xf32>
    %mul3A_204 = arith.mulf %slice3A_202, %mul3A_203 : vector<16x1024xf32>
    %slice3A_205 = vector.extract_strided_slice %dot_general3A_27 {offsets = [0, 0], sizes = [16, 1024], strides = [1, 1]} : vector<176x1024xf32> to vector<16x1024xf32>
    %mul3A_206 = arith.mulf %mul3A_204, %slice3A_205 : vector<16x1024xf32>
    %reduce_sum3A_207 = arith.constant dense<0.000000e+00> : vector<1024xf32>
    %reduce_sum3A_208 = vector.multi_reduction <add>, %mul3A_206, %reduce_sum3A_207 [0] : vector<16x1024xf32> to vector<1024xf32>
    %broadcast_in_dim3A_209 = vector.shape_cast %reduce_sum3A_208 : vector<1024xf32> to vector<1x1024xf32>
    %slice3A_210 = vector.extract_strided_slice %dot_general3A_27 {offsets = [16, 0], sizes = [16, 1024], strides = [1, 1]} : vector<176x1024xf32> to vector<16x1024xf32>
    %mul3A_211 = arith.mulf %mul3A_204, %slice3A_210 : vector<16x1024xf32>
    %reduce_sum3A_212 = arith.constant dense<0.000000e+00> : vector<1024xf32>
    %reduce_sum3A_213 = vector.multi_reduction <add>, %mul3A_211, %reduce_sum3A_212 [0] : vector<16x1024xf32> to vector<1024xf32>
    %broadcast_in_dim3A_214 = vector.shape_cast %reduce_sum3A_213 : vector<1024xf32> to vector<1x1024xf32>
    %slice3A_215 = vector.extract_strided_slice %dot_general3A_27 {offsets = [32, 0], sizes = [16, 1024], strides = [1, 1]} : vector<176x1024xf32> to vector<16x1024xf32>
    %mul3A_216 = arith.mulf %mul3A_204, %slice3A_215 : vector<16x1024xf32>
    %reduce_sum3A_217 = arith.constant dense<0.000000e+00> : vector<1024xf32>
    %reduce_sum3A_218 = vector.multi_reduction <add>, %mul3A_216, %reduce_sum3A_217 [0] : vector<16x1024xf32> to vector<1024xf32>
    %broadcast_in_dim3A_219 = vector.shape_cast %reduce_sum3A_218 : vector<1024xf32> to vector<1x1024xf32>
    %slice3A_220 = vector.extract_strided_slice %dot_general3A_27 {offsets = [48, 0], sizes = [16, 1024], strides = [1, 1]} : vector<176x1024xf32> to vector<16x1024xf32>
    %mul3A_221 = arith.mulf %mul3A_204, %slice3A_220 : vector<16x1024xf32>
    %reduce_sum3A_222 = arith.constant dense<0.000000e+00> : vector<1024xf32>
    %reduce_sum3A_223 = vector.multi_reduction <add>, %mul3A_221, %reduce_sum3A_222 [0] : vector<16x1024xf32> to vector<1024xf32>
    %broadcast_in_dim3A_224 = vector.shape_cast %reduce_sum3A_223 : vector<1024xf32> to vector<1x1024xf32>
    %slice3A_225 = vector.extract_strided_slice %dot_general3A_27 {offsets = [64, 0], sizes = [16, 1024], strides = [1, 1]} : vector<176x1024xf32> to vector<16x1024xf32>
    %mul3A_226 = arith.mulf %mul3A_204, %slice3A_225 : vector<16x1024xf32>
    %reduce_sum3A_227 = arith.constant dense<0.000000e+00> : vector<1024xf32>
    %reduce_sum3A_228 = vector.multi_reduction <add>, %mul3A_226, %reduce_sum3A_227 [0] : vector<16x1024xf32> to vector<1024xf32>
    %broadcast_in_dim3A_229 = vector.shape_cast %reduce_sum3A_228 : vector<1024xf32> to vector<1x1024xf32>
    %slice3A_230 = vector.extract_strided_slice %dot_general3A_27 {offsets = [80, 0], sizes = [16, 1024], strides = [1, 1]} : vector<176x1024xf32> to vector<16x1024xf32>
    %mul3A_231 = arith.mulf %mul3A_204, %slice3A_230 : vector<16x1024xf32>
    %reduce_sum3A_232 = arith.constant dense<0.000000e+00> : vector<1024xf32>
    %reduce_sum3A_233 = vector.multi_reduction <add>, %mul3A_231, %reduce_sum3A_232 [0] : vector<16x1024xf32> to vector<1024xf32>
    %broadcast_in_dim3A_234 = vector.shape_cast %reduce_sum3A_233 : vector<1024xf32> to vector<1x1024xf32>
    %slice3A_235 = vector.extract_strided_slice %dot_general3A_27 {offsets = [96, 0], sizes = [16, 1024], strides = [1, 1]} : vector<176x1024xf32> to vector<16x1024xf32>
    %mul3A_236 = arith.mulf %mul3A_204, %slice3A_235 : vector<16x1024xf32>
    %reduce_sum3A_237 = arith.constant dense<0.000000e+00> : vector<1024xf32>
    %reduce_sum3A_238 = vector.multi_reduction <add>, %mul3A_236, %reduce_sum3A_237 [0] : vector<16x1024xf32> to vector<1024xf32>
    %broadcast_in_dim3A_239 = vector.shape_cast %reduce_sum3A_238 : vector<1024xf32> to vector<1x1024xf32>
    %slice3A_240 = vector.extract_strided_slice %dot_general3A_27 {offsets = [112, 0], sizes = [16, 1024], strides = [1, 1]} : vector<176x1024xf32> to vector<16x1024xf32>
    %mul3A_241 = arith.mulf %mul3A_204, %slice3A_240 : vector<16x1024xf32>
    %reduce_sum3A_242 = arith.constant dense<0.000000e+00> : vector<1024xf32>
    %reduce_sum3A_243 = vector.multi_reduction <add>, %mul3A_241, %reduce_sum3A_242 [0] : vector<16x1024xf32> to vector<1024xf32>
    %broadcast_in_dim3A_244 = vector.shape_cast %reduce_sum3A_243 : vector<1024xf32> to vector<1x1024xf32>
    %slice3A_245 = vector.extract_strided_slice %dot_general3A_27 {offsets = [128, 0], sizes = [16, 1024], strides = [1, 1]} : vector<176x1024xf32> to vector<16x1024xf32>
    %mul3A_246 = arith.mulf %mul3A_204, %slice3A_245 : vector<16x1024xf32>
    %reduce_sum3A_247 = arith.constant dense<0.000000e+00> : vector<1024xf32>
    %reduce_sum3A_248 = vector.multi_reduction <add>, %mul3A_246, %reduce_sum3A_247 [0] : vector<16x1024xf32> to vector<1024xf32>
    %broadcast_in_dim3A_249 = vector.shape_cast %reduce_sum3A_248 : vector<1024xf32> to vector<1x1024xf32>
    %slice3A_250 = vector.extract_strided_slice %dot_general3A_27 {offsets = [144, 0], sizes = [16, 1024], strides = [1, 1]} : vector<176x1024xf32> to vector<16x1024xf32>
    %mul3A_251 = arith.mulf %mul3A_204, %slice3A_250 : vector<16x1024xf32>
    %reduce_sum3A_252 = arith.constant dense<0.000000e+00> : vector<1024xf32>
    %reduce_sum3A_253 = vector.multi_reduction <add>, %mul3A_251, %reduce_sum3A_252 [0] : vector<16x1024xf32> to vector<1024xf32>
    %broadcast_in_dim3A_254 = vector.shape_cast %reduce_sum3A_253 : vector<1024xf32> to vector<1x1024xf32>
    %slice3A_255 = vector.extract_strided_slice %dot_general3A_27 {offsets = [160, 0], sizes = [16, 1024], strides = [1, 1]} : vector<176x1024xf32> to vector<16x1024xf32>
    %mul3A_256 = arith.mulf %mul3A_204, %slice3A_255 : vector<16x1024xf32>
    %reduce_sum3A_257 = arith.constant dense<0.000000e+00> : vector<1024xf32>
    %reduce_sum3A_258 = vector.multi_reduction <add>, %mul3A_256, %reduce_sum3A_257 [0] : vector<16x1024xf32> to vector<1024xf32>
    %broadcast_in_dim3A_259 = vector.shape_cast %reduce_sum3A_258 : vector<1024xf32> to vector<1x1024xf32>
    %slice3A_260 = vector.extract_strided_slice %dot_general3A_22 {offsets = [64, 0], sizes = [16, 1024], strides = [1, 1]} : vector<192x1024xf32> to vector<16x1024xf32>
    %mul3A_261 = vector.broadcast %cos3A : vector<16x1xf32> to vector<16x1024xf32>
    %mul3A_262 = arith.mulf %slice3A_260, %mul3A_261 : vector<16x1024xf32>
    %slice3A_263 = vector.extract_strided_slice %dot_general3A_27 {offsets = [0, 0], sizes = [16, 1024], strides = [1, 1]} : vector<176x1024xf32> to vector<16x1024xf32>
    %mul3A_264 = arith.mulf %mul3A_262, %slice3A_263 : vector<16x1024xf32>
    %reduce_sum3A_265 = arith.constant dense<0.000000e+00> : vector<1024xf32>
    %reduce_sum3A_266 = vector.multi_reduction <add>, %mul3A_264, %reduce_sum3A_265 [0] : vector<16x1024xf32> to vector<1024xf32>
    %broadcast_in_dim3A_267 = vector.shape_cast %reduce_sum3A_266 : vector<1024xf32> to vector<1x1024xf32>
    %slice3A_268 = vector.extract_strided_slice %dot_general3A_27 {offsets = [16, 0], sizes = [16, 1024], strides = [1, 1]} : vector<176x1024xf32> to vector<16x1024xf32>
    %mul3A_269 = arith.mulf %mul3A_262, %slice3A_268 : vector<16x1024xf32>
    %reduce_sum3A_270 = arith.constant dense<0.000000e+00> : vector<1024xf32>
    %reduce_sum3A_271 = vector.multi_reduction <add>, %mul3A_269, %reduce_sum3A_270 [0] : vector<16x1024xf32> to vector<1024xf32>
    %broadcast_in_dim3A_272 = vector.shape_cast %reduce_sum3A_271 : vector<1024xf32> to vector<1x1024xf32>
    %slice3A_273 = vector.extract_strided_slice %dot_general3A_27 {offsets = [32, 0], sizes = [16, 1024], strides = [1, 1]} : vector<176x1024xf32> to vector<16x1024xf32>
    %mul3A_274 = arith.mulf %mul3A_262, %slice3A_273 : vector<16x1024xf32>
    %reduce_sum3A_275 = arith.constant dense<0.000000e+00> : vector<1024xf32>
    %reduce_sum3A_276 = vector.multi_reduction <add>, %mul3A_274, %reduce_sum3A_275 [0] : vector<16x1024xf32> to vector<1024xf32>
    %broadcast_in_dim3A_277 = vector.shape_cast %reduce_sum3A_276 : vector<1024xf32> to vector<1x1024xf32>
    %slice3A_278 = vector.extract_strided_slice %dot_general3A_27 {offsets = [48, 0], sizes = [16, 1024], strides = [1, 1]} : vector<176x1024xf32> to vector<16x1024xf32>
    %mul3A_279 = arith.mulf %mul3A_262, %slice3A_278 : vector<16x1024xf32>
    %reduce_sum3A_280 = arith.constant dense<0.000000e+00> : vector<1024xf32>
    %reduce_sum3A_281 = vector.multi_reduction <add>, %mul3A_279, %reduce_sum3A_280 [0] : vector<16x1024xf32> to vector<1024xf32>
    %broadcast_in_dim3A_282 = vector.shape_cast %reduce_sum3A_281 : vector<1024xf32> to vector<1x1024xf32>
    %slice3A_283 = vector.extract_strided_slice %dot_general3A_27 {offsets = [64, 0], sizes = [16, 1024], strides = [1, 1]} : vector<176x1024xf32> to vector<16x1024xf32>
    %mul3A_284 = arith.mulf %mul3A_262, %slice3A_283 : vector<16x1024xf32>
    %reduce_sum3A_285 = arith.constant dense<0.000000e+00> : vector<1024xf32>
    %reduce_sum3A_286 = vector.multi_reduction <add>, %mul3A_284, %reduce_sum3A_285 [0] : vector<16x1024xf32> to vector<1024xf32>
    %broadcast_in_dim3A_287 = vector.shape_cast %reduce_sum3A_286 : vector<1024xf32> to vector<1x1024xf32>
    %slice3A_288 = vector.extract_strided_slice %dot_general3A_27 {offsets = [80, 0], sizes = [16, 1024], strides = [1, 1]} : vector<176x1024xf32> to vector<16x1024xf32>
    %mul3A_289 = arith.mulf %mul3A_262, %slice3A_288 : vector<16x1024xf32>
    %reduce_sum3A_290 = arith.constant dense<0.000000e+00> : vector<1024xf32>
    %reduce_sum3A_291 = vector.multi_reduction <add>, %mul3A_289, %reduce_sum3A_290 [0] : vector<16x1024xf32> to vector<1024xf32>
    %broadcast_in_dim3A_292 = vector.shape_cast %reduce_sum3A_291 : vector<1024xf32> to vector<1x1024xf32>
    %slice3A_293 = vector.extract_strided_slice %dot_general3A_27 {offsets = [96, 0], sizes = [16, 1024], strides = [1, 1]} : vector<176x1024xf32> to vector<16x1024xf32>
    %mul3A_294 = arith.mulf %mul3A_262, %slice3A_293 : vector<16x1024xf32>
    %reduce_sum3A_295 = arith.constant dense<0.000000e+00> : vector<1024xf32>
    %reduce_sum3A_296 = vector.multi_reduction <add>, %mul3A_294, %reduce_sum3A_295 [0] : vector<16x1024xf32> to vector<1024xf32>
    %broadcast_in_dim3A_297 = vector.shape_cast %reduce_sum3A_296 : vector<1024xf32> to vector<1x1024xf32>
    %slice3A_298 = vector.extract_strided_slice %dot_general3A_27 {offsets = [112, 0], sizes = [16, 1024], strides = [1, 1]} : vector<176x1024xf32> to vector<16x1024xf32>
    %mul3A_299 = arith.mulf %mul3A_262, %slice3A_298 : vector<16x1024xf32>
    %reduce_sum3A_300 = arith.constant dense<0.000000e+00> : vector<1024xf32>
    %reduce_sum3A_301 = vector.multi_reduction <add>, %mul3A_299, %reduce_sum3A_300 [0] : vector<16x1024xf32> to vector<1024xf32>
    %broadcast_in_dim3A_302 = vector.shape_cast %reduce_sum3A_301 : vector<1024xf32> to vector<1x1024xf32>
    %slice3A_303 = vector.extract_strided_slice %dot_general3A_27 {offsets = [128, 0], sizes = [16, 1024], strides = [1, 1]} : vector<176x1024xf32> to vector<16x1024xf32>
    %mul3A_304 = arith.mulf %mul3A_262, %slice3A_303 : vector<16x1024xf32>
    %reduce_sum3A_305 = arith.constant dense<0.000000e+00> : vector<1024xf32>
    %reduce_sum3A_306 = vector.multi_reduction <add>, %mul3A_304, %reduce_sum3A_305 [0] : vector<16x1024xf32> to vector<1024xf32>
    %broadcast_in_dim3A_307 = vector.shape_cast %reduce_sum3A_306 : vector<1024xf32> to vector<1x1024xf32>
    %slice3A_308 = vector.extract_strided_slice %dot_general3A_27 {offsets = [144, 0], sizes = [16, 1024], strides = [1, 1]} : vector<176x1024xf32> to vector<16x1024xf32>
    %mul3A_309 = arith.mulf %mul3A_262, %slice3A_308 : vector<16x1024xf32>
    %reduce_sum3A_310 = arith.constant dense<0.000000e+00> : vector<1024xf32>
    %reduce_sum3A_311 = vector.multi_reduction <add>, %mul3A_309, %reduce_sum3A_310 [0] : vector<16x1024xf32> to vector<1024xf32>
    %broadcast_in_dim3A_312 = vector.shape_cast %reduce_sum3A_311 : vector<1024xf32> to vector<1x1024xf32>
    %slice3A_313 = vector.extract_strided_slice %dot_general3A_27 {offsets = [160, 0], sizes = [16, 1024], strides = [1, 1]} : vector<176x1024xf32> to vector<16x1024xf32>
    %mul3A_314 = arith.mulf %mul3A_262, %slice3A_313 : vector<16x1024xf32>
    %reduce_sum3A_315 = arith.constant dense<0.000000e+00> : vector<1024xf32>
    %reduce_sum3A_316 = vector.multi_reduction <add>, %mul3A_314, %reduce_sum3A_315 [0] : vector<16x1024xf32> to vector<1024xf32>
    %broadcast_in_dim3A_317 = vector.shape_cast %reduce_sum3A_316 : vector<1024xf32> to vector<1x1024xf32>
    %slice3A_318 = vector.extract_strided_slice %dot_general3A_22 {offsets = [80, 0], sizes = [16, 1024], strides = [1, 1]} : vector<192x1024xf32> to vector<16x1024xf32>
    %mul3A_319 = vector.broadcast %cos3A : vector<16x1xf32> to vector<16x1024xf32>
    %mul3A_320 = arith.mulf %slice3A_318, %mul3A_319 : vector<16x1024xf32>
    %slice3A_321 = vector.extract_strided_slice %dot_general3A_27 {offsets = [0, 0], sizes = [16, 1024], strides = [1, 1]} : vector<176x1024xf32> to vector<16x1024xf32>
    %mul3A_322 = arith.mulf %mul3A_320, %slice3A_321 : vector<16x1024xf32>
    %reduce_sum3A_323 = arith.constant dense<0.000000e+00> : vector<1024xf32>
    %reduce_sum3A_324 = vector.multi_reduction <add>, %mul3A_322, %reduce_sum3A_323 [0] : vector<16x1024xf32> to vector<1024xf32>
    %broadcast_in_dim3A_325 = vector.shape_cast %reduce_sum3A_324 : vector<1024xf32> to vector<1x1024xf32>
    %slice3A_326 = vector.extract_strided_slice %dot_general3A_27 {offsets = [16, 0], sizes = [16, 1024], strides = [1, 1]} : vector<176x1024xf32> to vector<16x1024xf32>
    %mul3A_327 = arith.mulf %mul3A_320, %slice3A_326 : vector<16x1024xf32>
    %reduce_sum3A_328 = arith.constant dense<0.000000e+00> : vector<1024xf32>
    %reduce_sum3A_329 = vector.multi_reduction <add>, %mul3A_327, %reduce_sum3A_328 [0] : vector<16x1024xf32> to vector<1024xf32>
    %broadcast_in_dim3A_330 = vector.shape_cast %reduce_sum3A_329 : vector<1024xf32> to vector<1x1024xf32>
    %slice3A_331 = vector.extract_strided_slice %dot_general3A_27 {offsets = [32, 0], sizes = [16, 1024], strides = [1, 1]} : vector<176x1024xf32> to vector<16x1024xf32>
    %mul3A_332 = arith.mulf %mul3A_320, %slice3A_331 : vector<16x1024xf32>
    %reduce_sum3A_333 = arith.constant dense<0.000000e+00> : vector<1024xf32>
    %reduce_sum3A_334 = vector.multi_reduction <add>, %mul3A_332, %reduce_sum3A_333 [0] : vector<16x1024xf32> to vector<1024xf32>
    %broadcast_in_dim3A_335 = vector.shape_cast %reduce_sum3A_334 : vector<1024xf32> to vector<1x1024xf32>
    %slice3A_336 = vector.extract_strided_slice %dot_general3A_27 {offsets = [48, 0], sizes = [16, 1024], strides = [1, 1]} : vector<176x1024xf32> to vector<16x1024xf32>
    %mul3A_337 = arith.mulf %mul3A_320, %slice3A_336 : vector<16x1024xf32>
    %reduce_sum3A_338 = arith.constant dense<0.000000e+00> : vector<1024xf32>
    %reduce_sum3A_339 = vector.multi_reduction <add>, %mul3A_337, %reduce_sum3A_338 [0] : vector<16x1024xf32> to vector<1024xf32>
    %broadcast_in_dim3A_340 = vector.shape_cast %reduce_sum3A_339 : vector<1024xf32> to vector<1x1024xf32>
    %slice3A_341 = vector.extract_strided_slice %dot_general3A_27 {offsets = [64, 0], sizes = [16, 1024], strides = [1, 1]} : vector<176x1024xf32> to vector<16x1024xf32>
    %mul3A_342 = arith.mulf %mul3A_320, %slice3A_341 : vector<16x1024xf32>
    %reduce_sum3A_343 = arith.constant dense<0.000000e+00> : vector<1024xf32>
    %reduce_sum3A_344 = vector.multi_reduction <add>, %mul3A_342, %reduce_sum3A_343 [0] : vector<16x1024xf32> to vector<1024xf32>
    %broadcast_in_dim3A_345 = vector.shape_cast %reduce_sum3A_344 : vector<1024xf32> to vector<1x1024xf32>
    %slice3A_346 = vector.extract_strided_slice %dot_general3A_27 {offsets = [80, 0], sizes = [16, 1024], strides = [1, 1]} : vector<176x1024xf32> to vector<16x1024xf32>
    %mul3A_347 = arith.mulf %mul3A_320, %slice3A_346 : vector<16x1024xf32>
    %reduce_sum3A_348 = arith.constant dense<0.000000e+00> : vector<1024xf32>
    %reduce_sum3A_349 = vector.multi_reduction <add>, %mul3A_347, %reduce_sum3A_348 [0] : vector<16x1024xf32> to vector<1024xf32>
    %broadcast_in_dim3A_350 = vector.shape_cast %reduce_sum3A_349 : vector<1024xf32> to vector<1x1024xf32>
    %slice3A_351 = vector.extract_strided_slice %dot_general3A_27 {offsets = [96, 0], sizes = [16, 1024], strides = [1, 1]} : vector<176x1024xf32> to vector<16x1024xf32>
    %mul3A_352 = arith.mulf %mul3A_320, %slice3A_351 : vector<16x1024xf32>
    %reduce_sum3A_353 = arith.constant dense<0.000000e+00> : vector<1024xf32>
    %reduce_sum3A_354 = vector.multi_reduction <add>, %mul3A_352, %reduce_sum3A_353 [0] : vector<16x1024xf32> to vector<1024xf32>
    %broadcast_in_dim3A_355 = vector.shape_cast %reduce_sum3A_354 : vector<1024xf32> to vector<1x1024xf32>
    %slice3A_356 = vector.extract_strided_slice %dot_general3A_27 {offsets = [112, 0], sizes = [16, 1024], strides = [1, 1]} : vector<176x1024xf32> to vector<16x1024xf32>
    %mul3A_357 = arith.mulf %mul3A_320, %slice3A_356 : vector<16x1024xf32>
    %reduce_sum3A_358 = arith.constant dense<0.000000e+00> : vector<1024xf32>
    %reduce_sum3A_359 = vector.multi_reduction <add>, %mul3A_357, %reduce_sum3A_358 [0] : vector<16x1024xf32> to vector<1024xf32>
    %broadcast_in_dim3A_360 = vector.shape_cast %reduce_sum3A_359 : vector<1024xf32> to vector<1x1024xf32>
    %slice3A_361 = vector.extract_strided_slice %dot_general3A_27 {offsets = [128, 0], sizes = [16, 1024], strides = [1, 1]} : vector<176x1024xf32> to vector<16x1024xf32>
    %mul3A_362 = arith.mulf %mul3A_320, %slice3A_361 : vector<16x1024xf32>
    %reduce_sum3A_363 = arith.constant dense<0.000000e+00> : vector<1024xf32>
    %reduce_sum3A_364 = vector.multi_reduction <add>, %mul3A_362, %reduce_sum3A_363 [0] : vector<16x1024xf32> to vector<1024xf32>
    %broadcast_in_dim3A_365 = vector.shape_cast %reduce_sum3A_364 : vector<1024xf32> to vector<1x1024xf32>
    %slice3A_366 = vector.extract_strided_slice %dot_general3A_27 {offsets = [144, 0], sizes = [16, 1024], strides = [1, 1]} : vector<176x1024xf32> to vector<16x1024xf32>
    %mul3A_367 = arith.mulf %mul3A_320, %slice3A_366 : vector<16x1024xf32>
    %reduce_sum3A_368 = arith.constant dense<0.000000e+00> : vector<1024xf32>
    %reduce_sum3A_369 = vector.multi_reduction <add>, %mul3A_367, %reduce_sum3A_368 [0] : vector<16x1024xf32> to vector<1024xf32>
    %broadcast_in_dim3A_370 = vector.shape_cast %reduce_sum3A_369 : vector<1024xf32> to vector<1x1024xf32>
    %slice3A_371 = vector.extract_strided_slice %dot_general3A_27 {offsets = [160, 0], sizes = [16, 1024], strides = [1, 1]} : vector<176x1024xf32> to vector<16x1024xf32>
    %mul3A_372 = arith.mulf %mul3A_320, %slice3A_371 : vector<16x1024xf32>
    %reduce_sum3A_373 = arith.constant dense<0.000000e+00> : vector<1024xf32>
    %reduce_sum3A_374 = vector.multi_reduction <add>, %mul3A_372, %reduce_sum3A_373 [0] : vector<16x1024xf32> to vector<1024xf32>
    %broadcast_in_dim3A_375 = vector.shape_cast %reduce_sum3A_374 : vector<1024xf32> to vector<1x1024xf32>
    %slice3A_376 = vector.extract_strided_slice %dot_general3A_22 {offsets = [96, 0], sizes = [16, 1024], strides = [1, 1]} : vector<192x1024xf32> to vector<16x1024xf32>
    %mul3A_377 = vector.broadcast %cos3A : vector<16x1xf32> to vector<16x1024xf32>
    %mul3A_378 = arith.mulf %slice3A_376, %mul3A_377 : vector<16x1024xf32>
    %slice3A_379 = vector.extract_strided_slice %dot_general3A_27 {offsets = [0, 0], sizes = [16, 1024], strides = [1, 1]} : vector<176x1024xf32> to vector<16x1024xf32>
    %mul3A_380 = arith.mulf %mul3A_378, %slice3A_379 : vector<16x1024xf32>
    %reduce_sum3A_381 = arith.constant dense<0.000000e+00> : vector<1024xf32>
    %reduce_sum3A_382 = vector.multi_reduction <add>, %mul3A_380, %reduce_sum3A_381 [0] : vector<16x1024xf32> to vector<1024xf32>
    %broadcast_in_dim3A_383 = vector.shape_cast %reduce_sum3A_382 : vector<1024xf32> to vector<1x1024xf32>
    %slice3A_384 = vector.extract_strided_slice %dot_general3A_27 {offsets = [16, 0], sizes = [16, 1024], strides = [1, 1]} : vector<176x1024xf32> to vector<16x1024xf32>
    %mul3A_385 = arith.mulf %mul3A_378, %slice3A_384 : vector<16x1024xf32>
    %reduce_sum3A_386 = arith.constant dense<0.000000e+00> : vector<1024xf32>
    %reduce_sum3A_387 = vector.multi_reduction <add>, %mul3A_385, %reduce_sum3A_386 [0] : vector<16x1024xf32> to vector<1024xf32>
    %broadcast_in_dim3A_388 = vector.shape_cast %reduce_sum3A_387 : vector<1024xf32> to vector<1x1024xf32>
    %slice3A_389 = vector.extract_strided_slice %dot_general3A_27 {offsets = [32, 0], sizes = [16, 1024], strides = [1, 1]} : vector<176x1024xf32> to vector<16x1024xf32>
    %mul3A_390 = arith.mulf %mul3A_378, %slice3A_389 : vector<16x1024xf32>
    %reduce_sum3A_391 = arith.constant dense<0.000000e+00> : vector<1024xf32>
    %reduce_sum3A_392 = vector.multi_reduction <add>, %mul3A_390, %reduce_sum3A_391 [0] : vector<16x1024xf32> to vector<1024xf32>
    %broadcast_in_dim3A_393 = vector.shape_cast %reduce_sum3A_392 : vector<1024xf32> to vector<1x1024xf32>
    %slice3A_394 = vector.extract_strided_slice %dot_general3A_27 {offsets = [48, 0], sizes = [16, 1024], strides = [1, 1]} : vector<176x1024xf32> to vector<16x1024xf32>
    %mul3A_395 = arith.mulf %mul3A_378, %slice3A_394 : vector<16x1024xf32>
    %reduce_sum3A_396 = arith.constant dense<0.000000e+00> : vector<1024xf32>
    %reduce_sum3A_397 = vector.multi_reduction <add>, %mul3A_395, %reduce_sum3A_396 [0] : vector<16x1024xf32> to vector<1024xf32>
    %broadcast_in_dim3A_398 = vector.shape_cast %reduce_sum3A_397 : vector<1024xf32> to vector<1x1024xf32>
    %slice3A_399 = vector.extract_strided_slice %dot_general3A_27 {offsets = [64, 0], sizes = [16, 1024], strides = [1, 1]} : vector<176x1024xf32> to vector<16x1024xf32>
    %mul3A_400 = arith.mulf %mul3A_378, %slice3A_399 : vector<16x1024xf32>
    %reduce_sum3A_401 = arith.constant dense<0.000000e+00> : vector<1024xf32>
    %reduce_sum3A_402 = vector.multi_reduction <add>, %mul3A_400, %reduce_sum3A_401 [0] : vector<16x1024xf32> to vector<1024xf32>
    %broadcast_in_dim3A_403 = vector.shape_cast %reduce_sum3A_402 : vector<1024xf32> to vector<1x1024xf32>
    %slice3A_404 = vector.extract_strided_slice %dot_general3A_27 {offsets = [80, 0], sizes = [16, 1024], strides = [1, 1]} : vector<176x1024xf32> to vector<16x1024xf32>
    %mul3A_405 = arith.mulf %mul3A_378, %slice3A_404 : vector<16x1024xf32>
    %reduce_sum3A_406 = arith.constant dense<0.000000e+00> : vector<1024xf32>
    %reduce_sum3A_407 = vector.multi_reduction <add>, %mul3A_405, %reduce_sum3A_406 [0] : vector<16x1024xf32> to vector<1024xf32>
    %broadcast_in_dim3A_408 = vector.shape_cast %reduce_sum3A_407 : vector<1024xf32> to vector<1x1024xf32>
    %slice3A_409 = vector.extract_strided_slice %dot_general3A_27 {offsets = [96, 0], sizes = [16, 1024], strides = [1, 1]} : vector<176x1024xf32> to vector<16x1024xf32>
    %mul3A_410 = arith.mulf %mul3A_378, %slice3A_409 : vector<16x1024xf32>
    %reduce_sum3A_411 = arith.constant dense<0.000000e+00> : vector<1024xf32>
    %reduce_sum3A_412 = vector.multi_reduction <add>, %mul3A_410, %reduce_sum3A_411 [0] : vector<16x1024xf32> to vector<1024xf32>
    %broadcast_in_dim3A_413 = vector.shape_cast %reduce_sum3A_412 : vector<1024xf32> to vector<1x1024xf32>
    %slice3A_414 = vector.extract_strided_slice %dot_general3A_27 {offsets = [112, 0], sizes = [16, 1024], strides = [1, 1]} : vector<176x1024xf32> to vector<16x1024xf32>
    %mul3A_415 = arith.mulf %mul3A_378, %slice3A_414 : vector<16x1024xf32>
    %reduce_sum3A_416 = arith.constant dense<0.000000e+00> : vector<1024xf32>
    %reduce_sum3A_417 = vector.multi_reduction <add>, %mul3A_415, %reduce_sum3A_416 [0] : vector<16x1024xf32> to vector<1024xf32>
    %broadcast_in_dim3A_418 = vector.shape_cast %reduce_sum3A_417 : vector<1024xf32> to vector<1x1024xf32>
    %slice3A_419 = vector.extract_strided_slice %dot_general3A_27 {offsets = [128, 0], sizes = [16, 1024], strides = [1, 1]} : vector<176x1024xf32> to vector<16x1024xf32>
    %mul3A_420 = arith.mulf %mul3A_378, %slice3A_419 : vector<16x1024xf32>
    %reduce_sum3A_421 = arith.constant dense<0.000000e+00> : vector<1024xf32>
    %reduce_sum3A_422 = vector.multi_reduction <add>, %mul3A_420, %reduce_sum3A_421 [0] : vector<16x1024xf32> to vector<1024xf32>
    %broadcast_in_dim3A_423 = vector.shape_cast %reduce_sum3A_422 : vector<1024xf32> to vector<1x1024xf32>
    %slice3A_424 = vector.extract_strided_slice %dot_general3A_27 {offsets = [144, 0], sizes = [16, 1024], strides = [1, 1]} : vector<176x1024xf32> to vector<16x1024xf32>
    %mul3A_425 = arith.mulf %mul3A_378, %slice3A_424 : vector<16x1024xf32>
    %reduce_sum3A_426 = arith.constant dense<0.000000e+00> : vector<1024xf32>
    %reduce_sum3A_427 = vector.multi_reduction <add>, %mul3A_425, %reduce_sum3A_426 [0] : vector<16x1024xf32> to vector<1024xf32>
    %broadcast_in_dim3A_428 = vector.shape_cast %reduce_sum3A_427 : vector<1024xf32> to vector<1x1024xf32>
    %slice3A_429 = vector.extract_strided_slice %dot_general3A_27 {offsets = [160, 0], sizes = [16, 1024], strides = [1, 1]} : vector<176x1024xf32> to vector<16x1024xf32>
    %mul3A_430 = arith.mulf %mul3A_378, %slice3A_429 : vector<16x1024xf32>
    %reduce_sum3A_431 = arith.constant dense<0.000000e+00> : vector<1024xf32>
    %reduce_sum3A_432 = vector.multi_reduction <add>, %mul3A_430, %reduce_sum3A_431 [0] : vector<16x1024xf32> to vector<1024xf32>
    %broadcast_in_dim3A_433 = vector.shape_cast %reduce_sum3A_432 : vector<1024xf32> to vector<1x1024xf32>
    %slice3A_434 = vector.extract_strided_slice %dot_general3A_22 {offsets = [112, 0], sizes = [16, 1024], strides = [1, 1]} : vector<192x1024xf32> to vector<16x1024xf32>
    %mul3A_435 = vector.broadcast %cos3A : vector<16x1xf32> to vector<16x1024xf32>
    %mul3A_436 = arith.mulf %slice3A_434, %mul3A_435 : vector<16x1024xf32>
    %slice3A_437 = vector.extract_strided_slice %dot_general3A_27 {offsets = [0, 0], sizes = [16, 1024], strides = [1, 1]} : vector<176x1024xf32> to vector<16x1024xf32>
    %mul3A_438 = arith.mulf %mul3A_436, %slice3A_437 : vector<16x1024xf32>
    %reduce_sum3A_439 = arith.constant dense<0.000000e+00> : vector<1024xf32>
    %reduce_sum3A_440 = vector.multi_reduction <add>, %mul3A_438, %reduce_sum3A_439 [0] : vector<16x1024xf32> to vector<1024xf32>
    %broadcast_in_dim3A_441 = vector.shape_cast %reduce_sum3A_440 : vector<1024xf32> to vector<1x1024xf32>
    %slice3A_442 = vector.extract_strided_slice %dot_general3A_27 {offsets = [16, 0], sizes = [16, 1024], strides = [1, 1]} : vector<176x1024xf32> to vector<16x1024xf32>
    %mul3A_443 = arith.mulf %mul3A_436, %slice3A_442 : vector<16x1024xf32>
    %reduce_sum3A_444 = arith.constant dense<0.000000e+00> : vector<1024xf32>
    %reduce_sum3A_445 = vector.multi_reduction <add>, %mul3A_443, %reduce_sum3A_444 [0] : vector<16x1024xf32> to vector<1024xf32>
    %broadcast_in_dim3A_446 = vector.shape_cast %reduce_sum3A_445 : vector<1024xf32> to vector<1x1024xf32>
    %slice3A_447 = vector.extract_strided_slice %dot_general3A_27 {offsets = [32, 0], sizes = [16, 1024], strides = [1, 1]} : vector<176x1024xf32> to vector<16x1024xf32>
    %mul3A_448 = arith.mulf %mul3A_436, %slice3A_447 : vector<16x1024xf32>
    %reduce_sum3A_449 = arith.constant dense<0.000000e+00> : vector<1024xf32>
    %reduce_sum3A_450 = vector.multi_reduction <add>, %mul3A_448, %reduce_sum3A_449 [0] : vector<16x1024xf32> to vector<1024xf32>
    %broadcast_in_dim3A_451 = vector.shape_cast %reduce_sum3A_450 : vector<1024xf32> to vector<1x1024xf32>
    %slice3A_452 = vector.extract_strided_slice %dot_general3A_27 {offsets = [48, 0], sizes = [16, 1024], strides = [1, 1]} : vector<176x1024xf32> to vector<16x1024xf32>
    %mul3A_453 = arith.mulf %mul3A_436, %slice3A_452 : vector<16x1024xf32>
    %reduce_sum3A_454 = arith.constant dense<0.000000e+00> : vector<1024xf32>
    %reduce_sum3A_455 = vector.multi_reduction <add>, %mul3A_453, %reduce_sum3A_454 [0] : vector<16x1024xf32> to vector<1024xf32>
    %broadcast_in_dim3A_456 = vector.shape_cast %reduce_sum3A_455 : vector<1024xf32> to vector<1x1024xf32>
    %slice3A_457 = vector.extract_strided_slice %dot_general3A_27 {offsets = [64, 0], sizes = [16, 1024], strides = [1, 1]} : vector<176x1024xf32> to vector<16x1024xf32>
    %mul3A_458 = arith.mulf %mul3A_436, %slice3A_457 : vector<16x1024xf32>
    %reduce_sum3A_459 = arith.constant dense<0.000000e+00> : vector<1024xf32>
    %reduce_sum3A_460 = vector.multi_reduction <add>, %mul3A_458, %reduce_sum3A_459 [0] : vector<16x1024xf32> to vector<1024xf32>
    %broadcast_in_dim3A_461 = vector.shape_cast %reduce_sum3A_460 : vector<1024xf32> to vector<1x1024xf32>
    %slice3A_462 = vector.extract_strided_slice %dot_general3A_27 {offsets = [80, 0], sizes = [16, 1024], strides = [1, 1]} : vector<176x1024xf32> to vector<16x1024xf32>
    %mul3A_463 = arith.mulf %mul3A_436, %slice3A_462 : vector<16x1024xf32>
    %reduce_sum3A_464 = arith.constant dense<0.000000e+00> : vector<1024xf32>
    %reduce_sum3A_465 = vector.multi_reduction <add>, %mul3A_463, %reduce_sum3A_464 [0] : vector<16x1024xf32> to vector<1024xf32>
    %broadcast_in_dim3A_466 = vector.shape_cast %reduce_sum3A_465 : vector<1024xf32> to vector<1x1024xf32>
    %slice3A_467 = vector.extract_strided_slice %dot_general3A_27 {offsets = [96, 0], sizes = [16, 1024], strides = [1, 1]} : vector<176x1024xf32> to vector<16x1024xf32>
    %mul3A_468 = arith.mulf %mul3A_436, %slice3A_467 : vector<16x1024xf32>
    %reduce_sum3A_469 = arith.constant dense<0.000000e+00> : vector<1024xf32>
    %reduce_sum3A_470 = vector.multi_reduction <add>, %mul3A_468, %reduce_sum3A_469 [0] : vector<16x1024xf32> to vector<1024xf32>
    %broadcast_in_dim3A_471 = vector.shape_cast %reduce_sum3A_470 : vector<1024xf32> to vector<1x1024xf32>
    %slice3A_472 = vector.extract_strided_slice %dot_general3A_27 {offsets = [112, 0], sizes = [16, 1024], strides = [1, 1]} : vector<176x1024xf32> to vector<16x1024xf32>
    %mul3A_473 = arith.mulf %mul3A_436, %slice3A_472 : vector<16x1024xf32>
    %reduce_sum3A_474 = arith.constant dense<0.000000e+00> : vector<1024xf32>
    %reduce_sum3A_475 = vector.multi_reduction <add>, %mul3A_473, %reduce_sum3A_474 [0] : vector<16x1024xf32> to vector<1024xf32>
    %broadcast_in_dim3A_476 = vector.shape_cast %reduce_sum3A_475 : vector<1024xf32> to vector<1x1024xf32>
    %slice3A_477 = vector.extract_strided_slice %dot_general3A_27 {offsets = [128, 0], sizes = [16, 1024], strides = [1, 1]} : vector<176x1024xf32> to vector<16x1024xf32>
    %mul3A_478 = arith.mulf %mul3A_436, %slice3A_477 : vector<16x1024xf32>
    %reduce_sum3A_479 = arith.constant dense<0.000000e+00> : vector<1024xf32>
    %reduce_sum3A_480 = vector.multi_reduction <add>, %mul3A_478, %reduce_sum3A_479 [0] : vector<16x1024xf32> to vector<1024xf32>
    %broadcast_in_dim3A_481 = vector.shape_cast %reduce_sum3A_480 : vector<1024xf32> to vector<1x1024xf32>
    %slice3A_482 = vector.extract_strided_slice %dot_general3A_27 {offsets = [144, 0], sizes = [16, 1024], strides = [1, 1]} : vector<176x1024xf32> to vector<16x1024xf32>
    %mul3A_483 = arith.mulf %mul3A_436, %slice3A_482 : vector<16x1024xf32>
    %reduce_sum3A_484 = arith.constant dense<0.000000e+00> : vector<1024xf32>
    %reduce_sum3A_485 = vector.multi_reduction <add>, %mul3A_483, %reduce_sum3A_484 [0] : vector<16x1024xf32> to vector<1024xf32>
    %broadcast_in_dim3A_486 = vector.shape_cast %reduce_sum3A_485 : vector<1024xf32> to vector<1x1024xf32>
    %slice3A_487 = vector.extract_strided_slice %dot_general3A_27 {offsets = [160, 0], sizes = [16, 1024], strides = [1, 1]} : vector<176x1024xf32> to vector<16x1024xf32>
    %mul3A_488 = arith.mulf %mul3A_436, %slice3A_487 : vector<16x1024xf32>
    %reduce_sum3A_489 = arith.constant dense<0.000000e+00> : vector<1024xf32>
    %reduce_sum3A_490 = vector.multi_reduction <add>, %mul3A_488, %reduce_sum3A_489 [0] : vector<16x1024xf32> to vector<1024xf32>
    %broadcast_in_dim3A_491 = vector.shape_cast %reduce_sum3A_490 : vector<1024xf32> to vector<1x1024xf32>
    %slice3A_492 = vector.extract_strided_slice %dot_general3A_22 {offsets = [128, 0], sizes = [16, 1024], strides = [1, 1]} : vector<192x1024xf32> to vector<16x1024xf32>
    %mul3A_493 = vector.broadcast %cos3A : vector<16x1xf32> to vector<16x1024xf32>
    %mul3A_494 = arith.mulf %slice3A_492, %mul3A_493 : vector<16x1024xf32>
    %slice3A_495 = vector.extract_strided_slice %dot_general3A_27 {offsets = [0, 0], sizes = [16, 1024], strides = [1, 1]} : vector<176x1024xf32> to vector<16x1024xf32>
    %mul3A_496 = arith.mulf %mul3A_494, %slice3A_495 : vector<16x1024xf32>
    %reduce_sum3A_497 = arith.constant dense<0.000000e+00> : vector<1024xf32>
    %reduce_sum3A_498 = vector.multi_reduction <add>, %mul3A_496, %reduce_sum3A_497 [0] : vector<16x1024xf32> to vector<1024xf32>
    %broadcast_in_dim3A_499 = vector.shape_cast %reduce_sum3A_498 : vector<1024xf32> to vector<1x1024xf32>
    %slice3A_500 = vector.extract_strided_slice %dot_general3A_27 {offsets = [16, 0], sizes = [16, 1024], strides = [1, 1]} : vector<176x1024xf32> to vector<16x1024xf32>
    %mul3A_501 = arith.mulf %mul3A_494, %slice3A_500 : vector<16x1024xf32>
    %reduce_sum3A_502 = arith.constant dense<0.000000e+00> : vector<1024xf32>
    %reduce_sum3A_503 = vector.multi_reduction <add>, %mul3A_501, %reduce_sum3A_502 [0] : vector<16x1024xf32> to vector<1024xf32>
    %broadcast_in_dim3A_504 = vector.shape_cast %reduce_sum3A_503 : vector<1024xf32> to vector<1x1024xf32>
    %slice3A_505 = vector.extract_strided_slice %dot_general3A_27 {offsets = [32, 0], sizes = [16, 1024], strides = [1, 1]} : vector<176x1024xf32> to vector<16x1024xf32>
    %mul3A_506 = arith.mulf %mul3A_494, %slice3A_505 : vector<16x1024xf32>
    %reduce_sum3A_507 = arith.constant dense<0.000000e+00> : vector<1024xf32>
    %reduce_sum3A_508 = vector.multi_reduction <add>, %mul3A_506, %reduce_sum3A_507 [0] : vector<16x1024xf32> to vector<1024xf32>
    %broadcast_in_dim3A_509 = vector.shape_cast %reduce_sum3A_508 : vector<1024xf32> to vector<1x1024xf32>
    %slice3A_510 = vector.extract_strided_slice %dot_general3A_27 {offsets = [48, 0], sizes = [16, 1024], strides = [1, 1]} : vector<176x1024xf32> to vector<16x1024xf32>
    %mul3A_511 = arith.mulf %mul3A_494, %slice3A_510 : vector<16x1024xf32>
    %reduce_sum3A_512 = arith.constant dense<0.000000e+00> : vector<1024xf32>
    %reduce_sum3A_513 = vector.multi_reduction <add>, %mul3A_511, %reduce_sum3A_512 [0] : vector<16x1024xf32> to vector<1024xf32>
    %broadcast_in_dim3A_514 = vector.shape_cast %reduce_sum3A_513 : vector<1024xf32> to vector<1x1024xf32>
    %slice3A_515 = vector.extract_strided_slice %dot_general3A_27 {offsets = [64, 0], sizes = [16, 1024], strides = [1, 1]} : vector<176x1024xf32> to vector<16x1024xf32>
    %mul3A_516 = arith.mulf %mul3A_494, %slice3A_515 : vector<16x1024xf32>
    %reduce_sum3A_517 = arith.constant dense<0.000000e+00> : vector<1024xf32>
    %reduce_sum3A_518 = vector.multi_reduction <add>, %mul3A_516, %reduce_sum3A_517 [0] : vector<16x1024xf32> to vector<1024xf32>
    %broadcast_in_dim3A_519 = vector.shape_cast %reduce_sum3A_518 : vector<1024xf32> to vector<1x1024xf32>
    %slice3A_520 = vector.extract_strided_slice %dot_general3A_27 {offsets = [80, 0], sizes = [16, 1024], strides = [1, 1]} : vector<176x1024xf32> to vector<16x1024xf32>
    %mul3A_521 = arith.mulf %mul3A_494, %slice3A_520 : vector<16x1024xf32>
    %reduce_sum3A_522 = arith.constant dense<0.000000e+00> : vector<1024xf32>
    %reduce_sum3A_523 = vector.multi_reduction <add>, %mul3A_521, %reduce_sum3A_522 [0] : vector<16x1024xf32> to vector<1024xf32>
    %broadcast_in_dim3A_524 = vector.shape_cast %reduce_sum3A_523 : vector<1024xf32> to vector<1x1024xf32>
    %slice3A_525 = vector.extract_strided_slice %dot_general3A_27 {offsets = [96, 0], sizes = [16, 1024], strides = [1, 1]} : vector<176x1024xf32> to vector<16x1024xf32>
    %mul3A_526 = arith.mulf %mul3A_494, %slice3A_525 : vector<16x1024xf32>
    %reduce_sum3A_527 = arith.constant dense<0.000000e+00> : vector<1024xf32>
    %reduce_sum3A_528 = vector.multi_reduction <add>, %mul3A_526, %reduce_sum3A_527 [0] : vector<16x1024xf32> to vector<1024xf32>
    %broadcast_in_dim3A_529 = vector.shape_cast %reduce_sum3A_528 : vector<1024xf32> to vector<1x1024xf32>
    %slice3A_530 = vector.extract_strided_slice %dot_general3A_27 {offsets = [112, 0], sizes = [16, 1024], strides = [1, 1]} : vector<176x1024xf32> to vector<16x1024xf32>
    %mul3A_531 = arith.mulf %mul3A_494, %slice3A_530 : vector<16x1024xf32>
    %reduce_sum3A_532 = arith.constant dense<0.000000e+00> : vector<1024xf32>
    %reduce_sum3A_533 = vector.multi_reduction <add>, %mul3A_531, %reduce_sum3A_532 [0] : vector<16x1024xf32> to vector<1024xf32>
    %broadcast_in_dim3A_534 = vector.shape_cast %reduce_sum3A_533 : vector<1024xf32> to vector<1x1024xf32>
    %slice3A_535 = vector.extract_strided_slice %dot_general3A_27 {offsets = [128, 0], sizes = [16, 1024], strides = [1, 1]} : vector<176x1024xf32> to vector<16x1024xf32>
    %mul3A_536 = arith.mulf %mul3A_494, %slice3A_535 : vector<16x1024xf32>
    %reduce_sum3A_537 = arith.constant dense<0.000000e+00> : vector<1024xf32>
    %reduce_sum3A_538 = vector.multi_reduction <add>, %mul3A_536, %reduce_sum3A_537 [0] : vector<16x1024xf32> to vector<1024xf32>
    %broadcast_in_dim3A_539 = vector.shape_cast %reduce_sum3A_538 : vector<1024xf32> to vector<1x1024xf32>
    %slice3A_540 = vector.extract_strided_slice %dot_general3A_27 {offsets = [144, 0], sizes = [16, 1024], strides = [1, 1]} : vector<176x1024xf32> to vector<16x1024xf32>
    %mul3A_541 = arith.mulf %mul3A_494, %slice3A_540 : vector<16x1024xf32>
    %reduce_sum3A_542 = arith.constant dense<0.000000e+00> : vector<1024xf32>
    %reduce_sum3A_543 = vector.multi_reduction <add>, %mul3A_541, %reduce_sum3A_542 [0] : vector<16x1024xf32> to vector<1024xf32>
    %broadcast_in_dim3A_544 = vector.shape_cast %reduce_sum3A_543 : vector<1024xf32> to vector<1x1024xf32>
    %slice3A_545 = vector.extract_strided_slice %dot_general3A_27 {offsets = [160, 0], sizes = [16, 1024], strides = [1, 1]} : vector<176x1024xf32> to vector<16x1024xf32>
    %mul3A_546 = arith.mulf %mul3A_494, %slice3A_545 : vector<16x1024xf32>
    %reduce_sum3A_547 = arith.constant dense<0.000000e+00> : vector<1024xf32>
    %reduce_sum3A_548 = vector.multi_reduction <add>, %mul3A_546, %reduce_sum3A_547 [0] : vector<16x1024xf32> to vector<1024xf32>
    %broadcast_in_dim3A_549 = vector.shape_cast %reduce_sum3A_548 : vector<1024xf32> to vector<1x1024xf32>
    %slice3A_550 = vector.extract_strided_slice %dot_general3A_22 {offsets = [144, 0], sizes = [16, 1024], strides = [1, 1]} : vector<192x1024xf32> to vector<16x1024xf32>
    %mul3A_551 = vector.broadcast %cos3A : vector<16x1xf32> to vector<16x1024xf32>
    %mul3A_552 = arith.mulf %slice3A_550, %mul3A_551 : vector<16x1024xf32>
    %slice3A_553 = vector.extract_strided_slice %dot_general3A_27 {offsets = [0, 0], sizes = [16, 1024], strides = [1, 1]} : vector<176x1024xf32> to vector<16x1024xf32>
    %mul3A_554 = arith.mulf %mul3A_552, %slice3A_553 : vector<16x1024xf32>
    %reduce_sum3A_555 = arith.constant dense<0.000000e+00> : vector<1024xf32>
    %reduce_sum3A_556 = vector.multi_reduction <add>, %mul3A_554, %reduce_sum3A_555 [0] : vector<16x1024xf32> to vector<1024xf32>
    %broadcast_in_dim3A_557 = vector.shape_cast %reduce_sum3A_556 : vector<1024xf32> to vector<1x1024xf32>
    %slice3A_558 = vector.extract_strided_slice %dot_general3A_27 {offsets = [16, 0], sizes = [16, 1024], strides = [1, 1]} : vector<176x1024xf32> to vector<16x1024xf32>
    %mul3A_559 = arith.mulf %mul3A_552, %slice3A_558 : vector<16x1024xf32>
    %reduce_sum3A_560 = arith.constant dense<0.000000e+00> : vector<1024xf32>
    %reduce_sum3A_561 = vector.multi_reduction <add>, %mul3A_559, %reduce_sum3A_560 [0] : vector<16x1024xf32> to vector<1024xf32>
    %broadcast_in_dim3A_562 = vector.shape_cast %reduce_sum3A_561 : vector<1024xf32> to vector<1x1024xf32>
    %slice3A_563 = vector.extract_strided_slice %dot_general3A_27 {offsets = [32, 0], sizes = [16, 1024], strides = [1, 1]} : vector<176x1024xf32> to vector<16x1024xf32>
    %mul3A_564 = arith.mulf %mul3A_552, %slice3A_563 : vector<16x1024xf32>
    %reduce_sum3A_565 = arith.constant dense<0.000000e+00> : vector<1024xf32>
    %reduce_sum3A_566 = vector.multi_reduction <add>, %mul3A_564, %reduce_sum3A_565 [0] : vector<16x1024xf32> to vector<1024xf32>
    %broadcast_in_dim3A_567 = vector.shape_cast %reduce_sum3A_566 : vector<1024xf32> to vector<1x1024xf32>
    %slice3A_568 = vector.extract_strided_slice %dot_general3A_27 {offsets = [48, 0], sizes = [16, 1024], strides = [1, 1]} : vector<176x1024xf32> to vector<16x1024xf32>
    %mul3A_569 = arith.mulf %mul3A_552, %slice3A_568 : vector<16x1024xf32>
    %reduce_sum3A_570 = arith.constant dense<0.000000e+00> : vector<1024xf32>
    %reduce_sum3A_571 = vector.multi_reduction <add>, %mul3A_569, %reduce_sum3A_570 [0] : vector<16x1024xf32> to vector<1024xf32>
    %broadcast_in_dim3A_572 = vector.shape_cast %reduce_sum3A_571 : vector<1024xf32> to vector<1x1024xf32>
    %slice3A_573 = vector.extract_strided_slice %dot_general3A_27 {offsets = [64, 0], sizes = [16, 1024], strides = [1, 1]} : vector<176x1024xf32> to vector<16x1024xf32>
    %mul3A_574 = arith.mulf %mul3A_552, %slice3A_573 : vector<16x1024xf32>
    %reduce_sum3A_575 = arith.constant dense<0.000000e+00> : vector<1024xf32>
    %reduce_sum3A_576 = vector.multi_reduction <add>, %mul3A_574, %reduce_sum3A_575 [0] : vector<16x1024xf32> to vector<1024xf32>
    %broadcast_in_dim3A_577 = vector.shape_cast %reduce_sum3A_576 : vector<1024xf32> to vector<1x1024xf32>
    %slice3A_578 = vector.extract_strided_slice %dot_general3A_27 {offsets = [80, 0], sizes = [16, 1024], strides = [1, 1]} : vector<176x1024xf32> to vector<16x1024xf32>
    %mul3A_579 = arith.mulf %mul3A_552, %slice3A_578 : vector<16x1024xf32>
    %reduce_sum3A_580 = arith.constant dense<0.000000e+00> : vector<1024xf32>
    %reduce_sum3A_581 = vector.multi_reduction <add>, %mul3A_579, %reduce_sum3A_580 [0] : vector<16x1024xf32> to vector<1024xf32>
    %broadcast_in_dim3A_582 = vector.shape_cast %reduce_sum3A_581 : vector<1024xf32> to vector<1x1024xf32>
    %slice3A_583 = vector.extract_strided_slice %dot_general3A_27 {offsets = [96, 0], sizes = [16, 1024], strides = [1, 1]} : vector<176x1024xf32> to vector<16x1024xf32>
    %mul3A_584 = arith.mulf %mul3A_552, %slice3A_583 : vector<16x1024xf32>
    %reduce_sum3A_585 = arith.constant dense<0.000000e+00> : vector<1024xf32>
    %reduce_sum3A_586 = vector.multi_reduction <add>, %mul3A_584, %reduce_sum3A_585 [0] : vector<16x1024xf32> to vector<1024xf32>
    %broadcast_in_dim3A_587 = vector.shape_cast %reduce_sum3A_586 : vector<1024xf32> to vector<1x1024xf32>
    %slice3A_588 = vector.extract_strided_slice %dot_general3A_27 {offsets = [112, 0], sizes = [16, 1024], strides = [1, 1]} : vector<176x1024xf32> to vector<16x1024xf32>
    %mul3A_589 = arith.mulf %mul3A_552, %slice3A_588 : vector<16x1024xf32>
    %reduce_sum3A_590 = arith.constant dense<0.000000e+00> : vector<1024xf32>
    %reduce_sum3A_591 = vector.multi_reduction <add>, %mul3A_589, %reduce_sum3A_590 [0] : vector<16x1024xf32> to vector<1024xf32>
    %broadcast_in_dim3A_592 = vector.shape_cast %reduce_sum3A_591 : vector<1024xf32> to vector<1x1024xf32>
    %slice3A_593 = vector.extract_strided_slice %dot_general3A_27 {offsets = [128, 0], sizes = [16, 1024], strides = [1, 1]} : vector<176x1024xf32> to vector<16x1024xf32>
    %mul3A_594 = arith.mulf %mul3A_552, %slice3A_593 : vector<16x1024xf32>
    %reduce_sum3A_595 = arith.constant dense<0.000000e+00> : vector<1024xf32>
    %reduce_sum3A_596 = vector.multi_reduction <add>, %mul3A_594, %reduce_sum3A_595 [0] : vector<16x1024xf32> to vector<1024xf32>
    %broadcast_in_dim3A_597 = vector.shape_cast %reduce_sum3A_596 : vector<1024xf32> to vector<1x1024xf32>
    %slice3A_598 = vector.extract_strided_slice %dot_general3A_27 {offsets = [144, 0], sizes = [16, 1024], strides = [1, 1]} : vector<176x1024xf32> to vector<16x1024xf32>
    %mul3A_599 = arith.mulf %mul3A_552, %slice3A_598 : vector<16x1024xf32>
    %reduce_sum3A_600 = arith.constant dense<0.000000e+00> : vector<1024xf32>
    %reduce_sum3A_601 = vector.multi_reduction <add>, %mul3A_599, %reduce_sum3A_600 [0] : vector<16x1024xf32> to vector<1024xf32>
    %broadcast_in_dim3A_602 = vector.shape_cast %reduce_sum3A_601 : vector<1024xf32> to vector<1x1024xf32>
    %slice3A_603 = vector.extract_strided_slice %dot_general3A_27 {offsets = [160, 0], sizes = [16, 1024], strides = [1, 1]} : vector<176x1024xf32> to vector<16x1024xf32>
    %mul3A_604 = arith.mulf %mul3A_552, %slice3A_603 : vector<16x1024xf32>
    %reduce_sum3A_605 = arith.constant dense<0.000000e+00> : vector<1024xf32>
    %reduce_sum3A_606 = vector.multi_reduction <add>, %mul3A_604, %reduce_sum3A_605 [0] : vector<16x1024xf32> to vector<1024xf32>
    %broadcast_in_dim3A_607 = vector.shape_cast %reduce_sum3A_606 : vector<1024xf32> to vector<1x1024xf32>
    %slice3A_608 = vector.extract_strided_slice %dot_general3A_22 {offsets = [160, 0], sizes = [16, 1024], strides = [1, 1]} : vector<192x1024xf32> to vector<16x1024xf32>
    %mul3A_609 = vector.broadcast %cos3A : vector<16x1xf32> to vector<16x1024xf32>
    %mul3A_610 = arith.mulf %slice3A_608, %mul3A_609 : vector<16x1024xf32>
    %slice3A_611 = vector.extract_strided_slice %dot_general3A_27 {offsets = [0, 0], sizes = [16, 1024], strides = [1, 1]} : vector<176x1024xf32> to vector<16x1024xf32>
    %mul3A_612 = arith.mulf %mul3A_610, %slice3A_611 : vector<16x1024xf32>
    %reduce_sum3A_613 = arith.constant dense<0.000000e+00> : vector<1024xf32>
    %reduce_sum3A_614 = vector.multi_reduction <add>, %mul3A_612, %reduce_sum3A_613 [0] : vector<16x1024xf32> to vector<1024xf32>
    %broadcast_in_dim3A_615 = vector.shape_cast %reduce_sum3A_614 : vector<1024xf32> to vector<1x1024xf32>
    %slice3A_616 = vector.extract_strided_slice %dot_general3A_27 {offsets = [16, 0], sizes = [16, 1024], strides = [1, 1]} : vector<176x1024xf32> to vector<16x1024xf32>
    %mul3A_617 = arith.mulf %mul3A_610, %slice3A_616 : vector<16x1024xf32>
    %reduce_sum3A_618 = arith.constant dense<0.000000e+00> : vector<1024xf32>
    %reduce_sum3A_619 = vector.multi_reduction <add>, %mul3A_617, %reduce_sum3A_618 [0] : vector<16x1024xf32> to vector<1024xf32>
    %broadcast_in_dim3A_620 = vector.shape_cast %reduce_sum3A_619 : vector<1024xf32> to vector<1x1024xf32>
    %slice3A_621 = vector.extract_strided_slice %dot_general3A_27 {offsets = [32, 0], sizes = [16, 1024], strides = [1, 1]} : vector<176x1024xf32> to vector<16x1024xf32>
    %mul3A_622 = arith.mulf %mul3A_610, %slice3A_621 : vector<16x1024xf32>
    %reduce_sum3A_623 = arith.constant dense<0.000000e+00> : vector<1024xf32>
    %reduce_sum3A_624 = vector.multi_reduction <add>, %mul3A_622, %reduce_sum3A_623 [0] : vector<16x1024xf32> to vector<1024xf32>
    %broadcast_in_dim3A_625 = vector.shape_cast %reduce_sum3A_624 : vector<1024xf32> to vector<1x1024xf32>
    %slice3A_626 = vector.extract_strided_slice %dot_general3A_27 {offsets = [48, 0], sizes = [16, 1024], strides = [1, 1]} : vector<176x1024xf32> to vector<16x1024xf32>
    %mul3A_627 = arith.mulf %mul3A_610, %slice3A_626 : vector<16x1024xf32>
    %reduce_sum3A_628 = arith.constant dense<0.000000e+00> : vector<1024xf32>
    %reduce_sum3A_629 = vector.multi_reduction <add>, %mul3A_627, %reduce_sum3A_628 [0] : vector<16x1024xf32> to vector<1024xf32>
    %broadcast_in_dim3A_630 = vector.shape_cast %reduce_sum3A_629 : vector<1024xf32> to vector<1x1024xf32>
    %slice3A_631 = vector.extract_strided_slice %dot_general3A_27 {offsets = [64, 0], sizes = [16, 1024], strides = [1, 1]} : vector<176x1024xf32> to vector<16x1024xf32>
    %mul3A_632 = arith.mulf %mul3A_610, %slice3A_631 : vector<16x1024xf32>
    %reduce_sum3A_633 = arith.constant dense<0.000000e+00> : vector<1024xf32>
    %reduce_sum3A_634 = vector.multi_reduction <add>, %mul3A_632, %reduce_sum3A_633 [0] : vector<16x1024xf32> to vector<1024xf32>
    %broadcast_in_dim3A_635 = vector.shape_cast %reduce_sum3A_634 : vector<1024xf32> to vector<1x1024xf32>
    %slice3A_636 = vector.extract_strided_slice %dot_general3A_27 {offsets = [80, 0], sizes = [16, 1024], strides = [1, 1]} : vector<176x1024xf32> to vector<16x1024xf32>
    %mul3A_637 = arith.mulf %mul3A_610, %slice3A_636 : vector<16x1024xf32>
    %reduce_sum3A_638 = arith.constant dense<0.000000e+00> : vector<1024xf32>
    %reduce_sum3A_639 = vector.multi_reduction <add>, %mul3A_637, %reduce_sum3A_638 [0] : vector<16x1024xf32> to vector<1024xf32>
    %broadcast_in_dim3A_640 = vector.shape_cast %reduce_sum3A_639 : vector<1024xf32> to vector<1x1024xf32>
    %slice3A_641 = vector.extract_strided_slice %dot_general3A_27 {offsets = [96, 0], sizes = [16, 1024], strides = [1, 1]} : vector<176x1024xf32> to vector<16x1024xf32>
    %mul3A_642 = arith.mulf %mul3A_610, %slice3A_641 : vector<16x1024xf32>
    %reduce_sum3A_643 = arith.constant dense<0.000000e+00> : vector<1024xf32>
    %reduce_sum3A_644 = vector.multi_reduction <add>, %mul3A_642, %reduce_sum3A_643 [0] : vector<16x1024xf32> to vector<1024xf32>
    %broadcast_in_dim3A_645 = vector.shape_cast %reduce_sum3A_644 : vector<1024xf32> to vector<1x1024xf32>
    %slice3A_646 = vector.extract_strided_slice %dot_general3A_27 {offsets = [112, 0], sizes = [16, 1024], strides = [1, 1]} : vector<176x1024xf32> to vector<16x1024xf32>
    %mul3A_647 = arith.mulf %mul3A_610, %slice3A_646 : vector<16x1024xf32>
    %reduce_sum3A_648 = arith.constant dense<0.000000e+00> : vector<1024xf32>
    %reduce_sum3A_649 = vector.multi_reduction <add>, %mul3A_647, %reduce_sum3A_648 [0] : vector<16x1024xf32> to vector<1024xf32>
    %broadcast_in_dim3A_650 = vector.shape_cast %reduce_sum3A_649 : vector<1024xf32> to vector<1x1024xf32>
    %slice3A_651 = vector.extract_strided_slice %dot_general3A_27 {offsets = [128, 0], sizes = [16, 1024], strides = [1, 1]} : vector<176x1024xf32> to vector<16x1024xf32>
    %mul3A_652 = arith.mulf %mul3A_610, %slice3A_651 : vector<16x1024xf32>
    %reduce_sum3A_653 = arith.constant dense<0.000000e+00> : vector<1024xf32>
    %reduce_sum3A_654 = vector.multi_reduction <add>, %mul3A_652, %reduce_sum3A_653 [0] : vector<16x1024xf32> to vector<1024xf32>
    %broadcast_in_dim3A_655 = vector.shape_cast %reduce_sum3A_654 : vector<1024xf32> to vector<1x1024xf32>
    %slice3A_656 = vector.extract_strided_slice %dot_general3A_27 {offsets = [144, 0], sizes = [16, 1024], strides = [1, 1]} : vector<176x1024xf32> to vector<16x1024xf32>
    %mul3A_657 = arith.mulf %mul3A_610, %slice3A_656 : vector<16x1024xf32>
    %reduce_sum3A_658 = arith.constant dense<0.000000e+00> : vector<1024xf32>
    %reduce_sum3A_659 = vector.multi_reduction <add>, %mul3A_657, %reduce_sum3A_658 [0] : vector<16x1024xf32> to vector<1024xf32>
    %broadcast_in_dim3A_660 = vector.shape_cast %reduce_sum3A_659 : vector<1024xf32> to vector<1x1024xf32>
    %slice3A_661 = vector.extract_strided_slice %dot_general3A_27 {offsets = [160, 0], sizes = [16, 1024], strides = [1, 1]} : vector<176x1024xf32> to vector<16x1024xf32>
    %mul3A_662 = arith.mulf %mul3A_610, %slice3A_661 : vector<16x1024xf32>
    %reduce_sum3A_663 = arith.constant dense<0.000000e+00> : vector<1024xf32>
    %reduce_sum3A_664 = vector.multi_reduction <add>, %mul3A_662, %reduce_sum3A_663 [0] : vector<16x1024xf32> to vector<1024xf32>
    %broadcast_in_dim3A_665 = vector.shape_cast %reduce_sum3A_664 : vector<1024xf32> to vector<1x1024xf32>
    %slice3A_666 = vector.extract_strided_slice %dot_general3A_22 {offsets = [176, 0], sizes = [16, 1024], strides = [1, 1]} : vector<192x1024xf32> to vector<16x1024xf32>
    %mul3A_667 = vector.broadcast %cos3A : vector<16x1xf32> to vector<16x1024xf32>
    %mul3A_668 = arith.mulf %slice3A_666, %mul3A_667 : vector<16x1024xf32>
    %slice3A_669 = vector.extract_strided_slice %dot_general3A_27 {offsets = [0, 0], sizes = [16, 1024], strides = [1, 1]} : vector<176x1024xf32> to vector<16x1024xf32>
    %mul3A_670 = arith.mulf %mul3A_668, %slice3A_669 : vector<16x1024xf32>
    %reduce_sum3A_671 = arith.constant dense<0.000000e+00> : vector<1024xf32>
    %reduce_sum3A_672 = vector.multi_reduction <add>, %mul3A_670, %reduce_sum3A_671 [0] : vector<16x1024xf32> to vector<1024xf32>
    %broadcast_in_dim3A_673 = vector.shape_cast %reduce_sum3A_672 : vector<1024xf32> to vector<1x1024xf32>
    %slice3A_674 = vector.extract_strided_slice %dot_general3A_27 {offsets = [16, 0], sizes = [16, 1024], strides = [1, 1]} : vector<176x1024xf32> to vector<16x1024xf32>
    %mul3A_675 = arith.mulf %mul3A_668, %slice3A_674 : vector<16x1024xf32>
    %reduce_sum3A_676 = arith.constant dense<0.000000e+00> : vector<1024xf32>
    %reduce_sum3A_677 = vector.multi_reduction <add>, %mul3A_675, %reduce_sum3A_676 [0] : vector<16x1024xf32> to vector<1024xf32>
    %broadcast_in_dim3A_678 = vector.shape_cast %reduce_sum3A_677 : vector<1024xf32> to vector<1x1024xf32>
    %slice3A_679 = vector.extract_strided_slice %dot_general3A_27 {offsets = [32, 0], sizes = [16, 1024], strides = [1, 1]} : vector<176x1024xf32> to vector<16x1024xf32>
    %mul3A_680 = arith.mulf %mul3A_668, %slice3A_679 : vector<16x1024xf32>
    %reduce_sum3A_681 = arith.constant dense<0.000000e+00> : vector<1024xf32>
    %reduce_sum3A_682 = vector.multi_reduction <add>, %mul3A_680, %reduce_sum3A_681 [0] : vector<16x1024xf32> to vector<1024xf32>
    %broadcast_in_dim3A_683 = vector.shape_cast %reduce_sum3A_682 : vector<1024xf32> to vector<1x1024xf32>
    %slice3A_684 = vector.extract_strided_slice %dot_general3A_27 {offsets = [48, 0], sizes = [16, 1024], strides = [1, 1]} : vector<176x1024xf32> to vector<16x1024xf32>
    %mul3A_685 = arith.mulf %mul3A_668, %slice3A_684 : vector<16x1024xf32>
    %reduce_sum3A_686 = arith.constant dense<0.000000e+00> : vector<1024xf32>
    %reduce_sum3A_687 = vector.multi_reduction <add>, %mul3A_685, %reduce_sum3A_686 [0] : vector<16x1024xf32> to vector<1024xf32>
    %broadcast_in_dim3A_688 = vector.shape_cast %reduce_sum3A_687 : vector<1024xf32> to vector<1x1024xf32>
    %slice3A_689 = vector.extract_strided_slice %dot_general3A_27 {offsets = [64, 0], sizes = [16, 1024], strides = [1, 1]} : vector<176x1024xf32> to vector<16x1024xf32>
    %mul3A_690 = arith.mulf %mul3A_668, %slice3A_689 : vector<16x1024xf32>
    %reduce_sum3A_691 = arith.constant dense<0.000000e+00> : vector<1024xf32>
    %reduce_sum3A_692 = vector.multi_reduction <add>, %mul3A_690, %reduce_sum3A_691 [0] : vector<16x1024xf32> to vector<1024xf32>
    %broadcast_in_dim3A_693 = vector.shape_cast %reduce_sum3A_692 : vector<1024xf32> to vector<1x1024xf32>
    %slice3A_694 = vector.extract_strided_slice %dot_general3A_27 {offsets = [80, 0], sizes = [16, 1024], strides = [1, 1]} : vector<176x1024xf32> to vector<16x1024xf32>
    %mul3A_695 = arith.mulf %mul3A_668, %slice3A_694 : vector<16x1024xf32>
    %reduce_sum3A_696 = arith.constant dense<0.000000e+00> : vector<1024xf32>
    %reduce_sum3A_697 = vector.multi_reduction <add>, %mul3A_695, %reduce_sum3A_696 [0] : vector<16x1024xf32> to vector<1024xf32>
    %broadcast_in_dim3A_698 = vector.shape_cast %reduce_sum3A_697 : vector<1024xf32> to vector<1x1024xf32>
    %slice3A_699 = vector.extract_strided_slice %dot_general3A_27 {offsets = [96, 0], sizes = [16, 1024], strides = [1, 1]} : vector<176x1024xf32> to vector<16x1024xf32>
    %mul3A_700 = arith.mulf %mul3A_668, %slice3A_699 : vector<16x1024xf32>
    %reduce_sum3A_701 = arith.constant dense<0.000000e+00> : vector<1024xf32>
    %reduce_sum3A_702 = vector.multi_reduction <add>, %mul3A_700, %reduce_sum3A_701 [0] : vector<16x1024xf32> to vector<1024xf32>
    %broadcast_in_dim3A_703 = vector.shape_cast %reduce_sum3A_702 : vector<1024xf32> to vector<1x1024xf32>
    %concatenate3A = tpu.concatenate %broadcast_in_dim3A, %broadcast_in_dim3A_40, %broadcast_in_dim3A_45, %broadcast_in_dim3A_50, %broadcast_in_dim3A_55, %broadcast_in_dim3A_60, %broadcast_in_dim3A_65, %broadcast_in_dim3A_70, %broadcast_in_dim3A_75, %broadcast_in_dim3A_80, %broadcast_in_dim3A_85, %broadcast_in_dim3A_93, %broadcast_in_dim3A_98, %broadcast_in_dim3A_103, %broadcast_in_dim3A_108, %broadcast_in_dim3A_113, %broadcast_in_dim3A_118, %broadcast_in_dim3A_123, %broadcast_in_dim3A_128, %broadcast_in_dim3A_133, %broadcast_in_dim3A_138, %broadcast_in_dim3A_143, %broadcast_in_dim3A_151, %broadcast_in_dim3A_156, %broadcast_in_dim3A_161, %broadcast_in_dim3A_166, %broadcast_in_dim3A_171, %broadcast_in_dim3A_176, %broadcast_in_dim3A_181, %broadcast_in_dim3A_186, %broadcast_in_dim3A_191, %broadcast_in_dim3A_196, %broadcast_in_dim3A_201, %broadcast_in_dim3A_209, %broadcast_in_dim3A_214, %broadcast_in_dim3A_219, %broadcast_in_dim3A_224, %broadcast_in_dim3A_229, %broadcast_in_dim3A_234, %broadcast_in_dim3A_239, %broadcast_in_dim3A_244, %broadcast_in_dim3A_249, %broadcast_in_dim3A_254, %broadcast_in_dim3A_259, %broadcast_in_dim3A_267, %broadcast_in_dim3A_272, %broadcast_in_dim3A_277, %broadcast_in_dim3A_282, %broadcast_in_dim3A_287, %broadcast_in_dim3A_292, %broadcast_in_dim3A_297, %broadcast_in_dim3A_302, %broadcast_in_dim3A_307, %broadcast_in_dim3A_312, %broadcast_in_dim3A_317, %broadcast_in_dim3A_325, %broadcast_in_dim3A_330, %broadcast_in_dim3A_335, %broadcast_in_dim3A_340, %broadcast_in_dim3A_345, %broadcast_in_dim3A_350, %broadcast_in_dim3A_355, %broadcast_in_dim3A_360, %broadcast_in_dim3A_365, %broadcast_in_dim3A_370, %broadcast_in_dim3A_375, %broadcast_in_dim3A_383, %broadcast_in_dim3A_388, %broadcast_in_dim3A_393, %broadcast_in_dim3A_398, %broadcast_in_dim3A_403, %broadcast_in_dim3A_408, %broadcast_in_dim3A_413, %broadcast_in_dim3A_418, %broadcast_in_dim3A_423, %broadcast_in_dim3A_428, %broadcast_in_dim3A_433, %broadcast_in_dim3A_441, %broadcast_in_dim3A_446, %broadcast_in_dim3A_451, %broadcast_in_dim3A_456, %broadcast_in_dim3A_461, %broadcast_in_dim3A_466, %broadcast_in_dim3A_471, %broadcast_in_dim3A_476, %broadcast_in_dim3A_481, %broadcast_in_dim3A_486, %broadcast_in_dim3A_491, %broadcast_in_dim3A_499, %broadcast_in_dim3A_504, %broadcast_in_dim3A_509, %broadcast_in_dim3A_514, %broadcast_in_dim3A_519, %broadcast_in_dim3A_524, %broadcast_in_dim3A_529, %broadcast_in_dim3A_534, %broadcast_in_dim3A_539, %broadcast_in_dim3A_544, %broadcast_in_dim3A_549, %broadcast_in_dim3A_557, %broadcast_in_dim3A_562, %broadcast_in_dim3A_567, %broadcast_in_dim3A_572, %broadcast_in_dim3A_577, %broadcast_in_dim3A_582, %broadcast_in_dim3A_587, %broadcast_in_dim3A_592, %broadcast_in_dim3A_597, %broadcast_in_dim3A_602, %broadcast_in_dim3A_607, %broadcast_in_dim3A_615, %broadcast_in_dim3A_620, %broadcast_in_dim3A_625, %broadcast_in_dim3A_630, %broadcast_in_dim3A_635, %broadcast_in_dim3A_640, %broadcast_in_dim3A_645, %broadcast_in_dim3A_650, %broadcast_in_dim3A_655, %broadcast_in_dim3A_660, %broadcast_in_dim3A_665, %broadcast_in_dim3A_673, %broadcast_in_dim3A_678, %broadcast_in_dim3A_683, %broadcast_in_dim3A_688, %broadcast_in_dim3A_693, %broadcast_in_dim3A_698, %broadcast_in_dim3A_703 in 0 : vector<1x1024xf32>, vector<1x1024xf32>, vector<1x1024xf32>, vector<1x1024xf32>, vector<1x1024xf32>, vector<1x1024xf32>, vector<1x1024xf32>, vector<1x1024xf32>, vector<1x1024xf32>, vector<1x1024xf32>, vector<1x1024xf32>, vector<1x1024xf32>, vector<1x1024xf32>, vector<1x1024xf32>, vector<1x1024xf32>, vector<1x1024xf32>, vector<1x1024xf32>, vector<1x1024xf32>, vector<1x1024xf32>, vector<1x1024xf32>, vector<1x1024xf32>, vector<1x1024xf32>, vector<1x1024xf32>, vector<1x1024xf32>, vector<1x1024xf32>, vector<1x1024xf32>, vector<1x1024xf32>, vector<1x1024xf32>, vector<1x1024xf32>, vector<1x1024xf32>, vector<1x1024xf32>, vector<1x1024xf32>, vector<1x1024xf32>, vector<1x1024xf32>, vector<1x1024xf32>, vector<1x1024xf32>, vector<1x1024xf32>, vector<1x1024xf32>, vector<1x1024xf32>, vector<1x1024xf32>, vector<1x1024xf32>, vector<1x1024xf32>, vector<1x1024xf32>, vector<1x1024xf32>, vector<1x1024xf32>, vector<1x1024xf32>, vector<1x1024xf32>, vector<1x1024xf32>, vector<1x1024xf32>, vector<1x1024xf32>, vector<1x1024xf32>, vector<1x1024xf32>, vector<1x1024xf32>, vector<1x1024xf32>, vector<1x1024xf32>, vector<1x1024xf32>, vector<1x1024xf32>, vector<1x1024xf32>, vector<1x1024xf32>, vector<1x1024xf32>, vector<1x1024xf32>, vector<1x1024xf32>, vector<1x1024xf32>, vector<1x1024xf32>, vector<1x1024xf32>, vector<1x1024xf32>, vector<1x1024xf32>, vector<1x1024xf32>, vector<1x1024xf32>, vector<1x1024xf32>, vector<1x1024xf32>, vector<1x1024xf32>, vector<1x1024xf32>, vector<1x1024xf32>, vector<1x1024xf32>, vector<1x1024xf32>, vector<1x1024xf32>, vector<1x1024xf32>, vector<1x1024xf32>, vector<1x1024xf32>, vector<1x1024xf32>, vector<1x1024xf32>, vector<1x1024xf32>, vector<1x1024xf32>, vector<1x1024xf32>, vector<1x1024xf32>, vector<1x1024xf32>, vector<1x1024xf32>, vector<1x1024xf32>, vector<1x1024xf32>, vector<1x1024xf32>, vector<1x1024xf32>, vector<1x1024xf32>, vector<1x1024xf32>, vector<1x1024xf32>, vector<1x1024xf32>, vector<1x1024xf32>, vector<1x1024xf32>, vector<1x1024xf32>, vector<1x1024xf32>, vector<1x1024xf32>, vector<1x1024xf32>, vector<1x1024xf32>, vector<1x1024xf32>, vector<1x1024xf32>, vector<1x1024xf32>, vector<1x1024xf32>, vector<1x1024xf32>, vector<1x1024xf32>, vector<1x1024xf32>, vector<1x1024xf32>, vector<1x1024xf32>, vector<1x1024xf32>, vector<1x1024xf32>, vector<1x1024xf32>, vector<1x1024xf32>, vector<1x1024xf32>, vector<1x1024xf32>, vector<1x1024xf32>, vector<1x1024xf32>, vector<1x1024xf32>, vector<1x1024xf32>, vector<1x1024xf32>, vector<1x1024xf32>, vector<1x1024xf32>, vector<1x1024xf32>, vector<1x1024xf32>, vector<1x1024xf32> -> vector<128x1024xf32>
    %transpose3A = tpu.transpose %concatenate3A, [1, 0] : vector<128x1024xf32> -> vector<1024x128xf32>
    %swap3A = arith.constant 0 : index
    %swap3A_704 = arith.constant 0 : index
    %swap3A_705 = vector.load %arg5[%swap3A, %swap3A_704] : memref<1024x128xf32, #tpu.memory_space<vmem>>, vector<1024x128xf32>
    tpu.vector_store %arg5[%swap3A, %swap3A_704], %transpose3A {strides = array<i32>} : memref<1024x128xf32, #tpu.memory_space<vmem>>, vector<1024x128xf32>,
    return
  }
  func.func @transform_0(%arg0: i32) -> (i32, i32, i32) {
    %c0_i32 = arith.constant 0 : i32
    %c0_i32_0 = arith.constant 0 : i32
    %c0_i32_1 = arith.constant 0 : i32
    return %arg0, %c0_i32, %c0_i32_0 : i32, i32, i32
  }
  func.func @transform_1(%arg0: i32) -> (i32, i32) {
    %c0_i32 = arith.constant 0 : i32
    %c0_i32_0 = arith.constant 0 : i32
    %c0_i32_1 = arith.constant 0 : i32
    return %c0_i32, %c0_i32_0 : i32, i32
  }
  func.func @transform_2(%arg0: i32) -> (i32, i32) {
    %c0_i32 = arith.constant 0 : i32
    %c0_i32_0 = arith.constant 0 : i32
    %c0_i32_1 = arith.constant 0 : i32
    return %c0_i32, %c0_i32_0 : i32, i32
  }
  func.func @transform_3(%arg0: i32) -> (i32, i32) {
    %c0_i32 = arith.constant 0 : i32
    %c0_i32_0 = arith.constant 0 : i32
    %c0_i32_1 = arith.constant 0 : i32
    return %c0_i32, %c0_i32_0 : i32, i32
  }
  func.func @transform_4(%arg0: i32) -> (i32, i32) {
    %c0_i32 = arith.constant 0 : i32
    %c0_i32_0 = arith.constant 0 : i32
    return %arg0, %c0_i32 : i32, i32
  }
}

</mosaic_0001>

<sc_bundles>
// kernel: sparse-core-data-format-call.cloned.1.call-start
scs
called_computation_lowered:
.L_overlay_start_0:
0x0: {  	s2 =	sld [smem:$0x3FD9]  }
0x1: {  	s3 =	sld [smem:$0x3FFE];
	_ =	sdelay $0x1  }
0x2: {  	s1 =	srdreg.scid  }
0x3: {  	s0 =	sand.u32 $0x1, s1  }
0x4: {  	s18 =	sshll.u32 s0, $0xA;
	s2 =	sadd.s32 s3, s2  }
0x5: {  	s2 =	sadd.s32 s2, s18  }
0x6: {  	[smem:$0x3FC4] =	sst s2  }
0x7: {  	_ = 	snop  }
0x8: {  	s2 =	sld [smem:$0x3FD0];
	(tm) =	ssettm $0x1  }
0x9: {  	s19 =	sld [smem:$0x3FFB];
	_ =	sdelay $0x3  }
0xa: {  	_ =	strace s19  }
0xb: {  	s3 =	sld [smem:$0x3FFC];
	_ =	sdelay $0x3  }
0xc: {  	_ =	strace s3  }
0xd: {  	s3 =	sld [smem:$0x3FFD];
	_ =	sdelay $0x3  }
0xe: {  	_ =	strace s3  }
0xf: {  	_ =	strace $0x8FFFFFFF  }
0x10: {  	s20 =	sld [smem:$0x3FDB];
	_ =	sdelay $0x1  }
0x11: {  	s4 =	simm.s32 $_scs_section_size  }
0x12: {  	s5 =	simm.s32 $_size__tile_overlayer_lowered;
	s6 =	simm.s32 $_tile_overlayer_lowered  }
0x13: {  	s23 =	simm.s32 $0x1BFF;
	s22 =	sshll.u32 s6, $0x1;
	s3 =	sadd.s32 s4, s20  }
0x14: {  	s7 =	simm.s32 $0x0;
	s21 =	sshll.u32 s5, $0x1;
	s5 =	sadd.s32 s22, s3  }
0x15: {  	[timem:s7], [sflag:s23] =	dma.local [hbm:s5], s21  }
0x16: {  	_ =	swait.ge [sflag:s23], s21  }
0x17: {  	s4 =	ssub.s32 $0x0, s21;
	[sflag:s23] =	ssyncset.done $0x0  }
0x18: {  	[sflag:s23] =	ssyncadd.s32 s4;
	_ =	sdelay $0x1  }
0x19: {  	s24 =	simm.s32 $0x1B8B  }
0x1a: {  	_ =	swait.ge [sflag:s24], $0x1  }
0x1b: {  	[sflag:s24] =	ssyncset.done $0x0  }
0x1c: {  	s26 =	simm.s32 $0x1B8E;
	s25 =	sld [smem:$0x3FFE];
	[sflag:s24] =	ssyncadd.s32 $0xFFFFFFFF  }
0x1d: {  	s27 =	simm.s32 $execute0_lowered;
	[smem:$0x3FD2] =	sst s26  }
0x1e: {  	s5 =	sshll.u32 s27, $0x1;
	_ =	strace $0x80000046;
	[dreg:$0x1] =	wrdreg $0xFFFFFFFF  }
0x1f: {  	s28 =	simm.s32 $_size_execute0_lowered;
	s3 =	sadd.s32 s3, s5;
	[dreg:$0x0] =	wrdreg $0x0  }
0x20: {  	s5 =	sshll.u32 s28, $0x1;
	[dreg:$0x2] =	wrdreg s3  }
0x21: {  	[dreg:$0x3] =	wrdreg s5  }
0x22: {  	[dreg:$0x4] =	wrdreg $0xC0  }
0x23: {  	_ =	task [dreg:s7], $0x5FFFF  }
0x24: {  	[dreg:$0x1] =	wrdreg $0xFFFFFFFF  }
0x25: {  	[dreg:$0x0] =	wrdreg $0x60  }
0x26: {  	[dreg:$0x2] =	wrdreg s25  }
0x27: {  	[dreg:$0x3] =	wrdreg s2  }
0x28: {  	[dreg:$0x4] =	wrdreg $0x9  }
0x29: {  	_ =	task.clear_ibuf [dreg:s7], $0x5FFFF;
	_ =	strace $0x90000046  }
0x2a: {  	s29 =	simm.s32 $0x9;
	_ =	strace $0x80000048  }
0x2b: {  	_ =	swait.ge [sflag:s29], $0x1  }
0x2c: {  	[sflag:s29] =	ssyncadd.s32 $0xFFFFFFFF  }
0x2d: {  	_ =	strace $0x90000048  }
0x2e: {  	_ =	sfence  }
0x2f: {  	s30 =	sld [smem:$0x0];
	_ =	sdelay $0x2  }
0x30: {  	s31 =	sshll.u32 s1, $0xD;
	s1 =	sshrl.u32 s1, $0x2  }
0x31: {  	s3 =	sand.u32 $0x4000, s31;
	s1 =	sadd.s32 s1, s30  }
0x32: {  	s0 =	sor.u32 s3, s0;
	s1 =	sshll.u32 s1, $0x11  }
0x33: {  	s0 =	sor.u32 s1, s0  }
0x34: {  	s0 =	sadd.s32 $0x8F2B, s0  }
0x35: {  	[sflag:s0] =	ssyncadd.remote.s32 $0x1  }
0x36: {  	_ =	sfence.sel $0xFFFF  }
0x37: {  	[dreg:$0x0] =	wrdreg $0xFFFFFFFF;
	(pc) =	sbr.abs _section_cstart, $3  }
0x38: {  	[dreg:$0x1] =	wrdreg $0xFFFFFFFF  }
0x39: {  	_ =	task.clear_ibuf [dreg:s7], $0x2FFFF;
	_ =	strace $0x9FFFFFFF  }
0x3a: {  	(tm) =	ssettm $0x7FFFFFFF  }
0x3b: {  	_ =	shalt  }
tec
execute0_lowered:
.L_overlay_start_1:
0x0: {  	(tag) =	ssettag $0x1  }
0x1: {  	s0 =	srdreg.scid  }
0x2: {  	s1 =	sshll.u32 s0, $0x4  }
0x3: {  	s0 =	stileid.u32;
	s1 =	sand.u32 $0x10, s1  }
0x4: {  	s1 =	sor.u32 s0, s1  }
0x5: {  	s6 =	rddreg [dreg:$0x0];
	s4 =	simm.s32 $0x1;
	s2 =	sshll.u32 s1, $0x6  }
0x6: {  	s7 =	simm.s32 $0x2;
	s13 =	simm.s32 $0x0;
	s1 =	ssub.s32 $0x1000, s2  }
0x7: {  	s8 =	simm.s32 $0x2000;
	s9 =	simm.s32 $0x80000;
	s3 =	sand.u32 $0x7C0, s1  }
0x8: {  	s14 =	simm.s32 $0x0;
	s5 =	sshrl.u32 s1, $0xB;
	p0 =	sne.s32 s3, $0x0  }
.Ltmp0:
0x9: {  	s1 =	rddreg [dreg:$0x2];
	s4 =	simm.s32 @!p0 $0x0;
	(pc) =	sbr.rel .LBB1_1-.Ltmp0, $4  }
0xa: {  	s10 =	simm.s32 $0x0;
	s3 =	rddreg [dreg:$0x1];
	s5 =	sadd.s32 s4, s5  }
0xb: {  	_ =	strace $0x80000047;
	s4 =	simm.s32 $0x1;
	s5 =	smul.u32 $0x19, s5  }
0xc: {  	s12 =	simm.s32 $0x0;
	s6 =	sadd.s32 $0x400, s6;
	[sflag:s4] =	ssyncpa.u1 $0x0  }
0xd: {  	s11 =	smov.u32 s2;
	[sflag:s7] =	ssyncpa.u1 $0x0;
	s7 =	sadd.s32 $0x1, s5  }
.LBB1_7:
0xe: {  	s15 =	sadd.s32 $0x2, s10  }
0xf: {  	s13 =	sadd.s32 $0x800, s11;
	s17 =	smov.u32 s11;
	p1 =	sgt.s32 s15, $0x31  }
0x10: {  	s17 =	smov.u32 @p1 s13  }
0x11: {  	s15 =	simm.s32 @p1 $0x0;
	p1 =	sgt.s32 s17, $0xFFF  }
0x12: {  	s17 =	smov.u32 @p1 s2;
	p1 =	sne.s32 s12, s7  }
.Ltmp1:
0x13: {  	p0 =	slt.u32 s12, $0x2;
	(pc) =	sbr.rel @!p1 .LBB1_8-.Ltmp1, $4  }
0x14: {  	s16 =	simm.s32 @!p0 $0x2  }
0x15: {  	s14 =	smov.u32 s11;
	_ =	swait.ge @!p0 [sflag:s16], $0x4000  }
0x16: {  	s13 =	smov.u32 s10;
	[sflag:s16] =	ssyncset.done @!p0 $0x0;
	s10 =	smov.u32 s15  }
0x17: {  	s12 =	sadd.s32 $0x1, s12;
	[sflag:s16] =	ssyncadd.s32 @!p0 $0xFFFFC000;
	s11 =	smov.u32 s17  }
.LBB1_1:
0x18: {  	p0 =	sge.u32 s12, s5  }
0x19: {  	s15 =	sand.u32 @!p0 $0x1FFFFFF, s10  }
0x1a: {  	s16 =	smulhi.u32 @!p0 $0x4924925, s15;
	_ =	sdelay $0x1  }
0x1b: {  	s16 =	smul.u32 @!p0 $0x38, s16  }
0x1c: {  	s17 =	sxor.u32 @!p0 $0xFFFFFFFF, s12;
	s18 =	smul.u32 @!p0 $0x380, s11  }
0x1d: {  	s31 =	sadd.s32 $0xFFFFFFFF, s12;
	s17 =	sshll.u32 @!p0 s17, $0xE;
	s15 =	ssub.s32 @!p0 s15, s16  }
0x1e: {  	s16 =	sand.u32 @!p0 $0x4000, s17;
	s17 =	sadd.s32 @!p0 s6, s18;
	s15 =	sshll.u32 @!p0 s15, $0x4  }
0x1f: {  	s18 =	simm.s32 @!p0 $0x1C00;
	s15 =	sadd.s32 @!p0 s15, s17;
	s17 =	simm.s32 @!p0 $0x100  }
0x20: {  	[tilespmem:s16], [sflag:$0x1] =	stream.strided.gather @!p0 [hbm4b:s15+s17], $0x4000, s18, s17, $0x38;
	[tilespmem:$0x10000] =	vst v63  }
0x21: {  	p0 =	sge.u32 s31, s5  }
.Ltmp2:
0x22: {  	_ = 	snop;
	(pc) =	sbr.rel @p0 .LBB1_7-.Ltmp2, $1  }
0x23: {  	_ =	sdelay $0x3  }
0x24: {  	_ =	swait.ge [sflag:s4], $0x4000;
	s15 =	sshll.u32 s12, $0xE  }
0x25: {  	[sflag:s4] =	ssyncset.done $0x0;
	s16 =	sand.u32 $0x4000, s15  }
0x26: {  	s17 =	simm.s32 $0x0;
	[sflag:s4] =	ssyncadd.s32 $0xFFFFC000;
	s15 =	sor.u32 $0x8000, s16  }
.LBB1_3:
0x27: {  	s18 =	sshll.u32 s17, $0x8  }
0x28: {  	s18 =	sand.u32 $0x3FFFFF00, s18  }
0x29: {  	s19 =	sshll.u32 s17, $0x7;
	s18 =	sadd.s32 s18, s16  }
0x2a: {  	s19 =	sand.u32 $0x3FFFFF80, s19;
	v0 =	vmov s18  }
0x2b: {  	s19 =	sadd.s32 s19, s15  }
0x2c: {  	p0 =	por $0x1, $0x1;
	v1 =	vmov s19;
	s18 =	simm.s32 $0x0  }
.LBB1_4:
0x2d: {  	s19 =	sshll.u32 s18, $0x7  }
0x2e: {  	s19 =	sand.u32 $0x3FFFFF80, s19  }
0x2f: {  	v2 =	vld.idx.msk [tilespmem:v0+s19+$0x0 ss:$0x1], $0xffff  }
0x30: {  	v3 =	vld.idx.msk [tilespmem:v0+s19+$0x10 ss:$0x1], $0xffff  }
0x31: {  	v4 =	vld.idx.msk [tilespmem:v0+s19+$0x20 ss:$0x1], $0xffff  }
0x32: {  	s31 =	sshll.u32 s18, $0xD;
	v5 =	vld.idx.msk [tilespmem:v0+s19+$0x30 ss:$0x1], $0xffff  }
0x33: {  	s18 =	sand.u32 $0x3FFFE000, s31;
	v6 =	vld.idx.msk [tilespmem:v0+s19+$0x40 ss:$0x1], $0xffff  }
0x34: {  	v63 =	vld.idx.msk [tilespmem:v0+s19+$0x70 ss:$0x1], $0xffff;
	[tilespmem:v1+s18+$0x0 ss:$0x1] =	vst.idx.msk $0xffff, v2  }
0x35: {  	v2 =	vld.idx.msk [tilespmem:v0+s19+$0x50 ss:$0x1], $0xffff;
	[tilespmem:v1+s18+$0x10 ss:$0x1] =	vst.idx.msk $0xffff, v3  }
0x36: {  	p1 =	por p0, p0;
	v3 =	vld.idx.msk [tilespmem:v0+s19+$0x60 ss:$0x1], $0xffff;
	[tilespmem:v1+s18+$0x20 ss:$0x1] =	vst.idx.msk $0xffff, v4  }
.Ltmp3:
0x37: {  	[tilespmem:v1+s18+$0x30 ss:$0x1] =	vst.idx.msk $0xffff, v5;
	(pc) =	sbr.rel @p1 .LBB1_4-.Ltmp3, $4  }
0x38: {  	[tilespmem:v1+s18+$0x40 ss:$0x1] =	vst.idx.msk $0xffff, v6  }
0x39: {  	[tilespmem:v1+s18+$0x70 ss:$0x1] =	vst.idx.msk $0xffff, v63  }
0x3a: {  	[tilespmem:v1+s18+$0x50 ss:$0x1] =	vst.idx.msk $0xffff, v2  }
0x3b: {  	p0 =	por $0x0, $0x0;
	[tilespmem:v1+s18+$0x60 ss:$0x1] =	vst.idx.msk $0xffff, v3;
	s18 =	simm.s32 $0x1  }
0x3c: {  	s17 =	sadd.s32 $0x1, s17  }
0x3d: {  	p0 =	sne.s32 s17, $0x40  }
.Ltmp4:
0x3e: {  	_ = 	snop;
	(pc) =	sbr.rel @p0 .LBB1_3-.Ltmp4, $1  }
0x3f: {  	_ =	sdelay $0x3  }
.Ltmp5:
0x40: {  	s14 =	sshll.u32 s14, $0x4;
	(pc) =	sbr.rel .LBB1_7-.Ltmp5, $4  }
0x41: {  	s14 =	sand.u32 $0xFFF0, s14  }
0x42: {  	s13 =	sshll.u32 s13, $0x10;
	s14 =	sadd.s32 s3, s14  }
0x43: {  	s13 =	sadd.s32 s13, s14  }
0x44: {  	[hbm4b:s13+s8] =	stream.strided.scatter [tilespmem:s15], [sflag:$0x2], $0x4000, s9, s8, $0x38;
	[tilespmem:$0x10000] =	vst v63  }
.LBB1_8:
0x45: {  	_ =	sfence.sel $0x180000  }
0x46: {  	s2 =	simm.s32 $0x1;
	[bflag:$0x0] =	sbarrier.arrive $0xFFFF  }
0x47: {  	s31 =	simm.s32 $0x2;
	[sflag:s2] =	ssyncpa.u1 $0x1  }
0x48: {  	[sflag:s31] =	ssyncpa.u1 $0x1  }
0x49: {  	p0 =	sne.s32 s0, $0x0;
	_ =	strace $0x90000047  }
0x4a: {  	s0 =	sadd.s32 @!p0 $0x100000, s1;
	[bflag:$0x2] =	sbarrier.arrive $0xFFFF  }
0x4b: {  	[sflag:s0] =	ssyncadd.tile.s32 @!p0 $0x1;
	_ =	shalt  }
.Lfunc_end1:
_tile_overlayer_lowered:
.L_overlay_start_2:
0x4c: {  	(tag) =	ssettag $0x2  }
0x4d: {  	s0 =	rddreg [dreg:$0x0];
	s2 =	stileid.u32  }
0x4e: {  	s1 =	rddreg [dreg:$0x1];
	p0 =	sne.s32 s2, $0x0  }
0x4f: {  	s3 =	rddreg [dreg:$0x2];
	[bflag:$0x3] =	sbarrier.arrive $0xFFFF;
	s2 =	simm.s32 @!p0 $0x1C01  }
0x50: {  	[timem:s3], [sflag:s2] =	dma.local @!p0 [hbm:s0], s1  }
0x51: {  	s0 =	simm.s32 @!p0 $0x1  }
0x52: {  	_ =	swait.ge @!p0 [sflag:s0], s1  }
0x53: {  	s1 =	ssub.s32 @!p0 $0x0, s1;
	[sflag:s0] =	ssyncset.done @!p0 $0x0  }
0x54: {  	[sflag:s0] =	ssyncadd.s32 @!p0 s1  }
0x55: {  	[bflag:$0x3] =	sbarrier.arrive $0xFFFF  }
0x56: {  	_ =	shalt  }

</sc_bundles>
